<compile_context>
chip_gen: v7x
topology: tpu7x:2x2x1
jax: 0.10.2.dev20260603
libtpu: 0.0.44.dev20260713+nightly
codegen_flags: <defaults>
</compile_context>

<pallas_src>
import functools

import jax
import jax.numpy as jnp
from jax import lax
from jax.experimental import pallas as pl
from jax.experimental.pallas import tpu as pltpu
from jax.experimental.pallas import tpu_sc as plsc

N = 10000
E = 320000
D = 128
OUT = 128

NC = 2
NS = 16
NW = NC * NS
EPT = E // NW
CHUNK = 80
NCHUNK = EPT // CHUNK
NPAD = 10240
RPT = NPAD // NS
ZBLK = 32
L = 16

_mesh = plsc.VectorSubcoreMesh(core_axis_name="c", subcore_axis_name="s")


@functools.partial(
    pl.kernel,
    out_type=(
        jax.ShapeDtypeStruct((NC * NPAD, D), jnp.float32),
        jax.ShapeDtypeStruct((NW, NPAD), jnp.float32),
    ),
    mesh=_mesh,
    compiler_params=pltpu.CompilerParams(needs_layout_passes=False),
    scratch_types=(
        pltpu.VMEM_SHARED((NPAD, D), jnp.float32),
        pltpu.VMEM((NPAD,), jnp.float32),
        pltpu.VMEM((ZBLK, D), jnp.float32),
        tuple(pltpu.VMEM((CHUNK,), jnp.int32) for _ in range(3)),
        tuple(pltpu.VMEM((CHUNK,), jnp.int32) for _ in range(3)),
        tuple(pltpu.VMEM((CHUNK, D), jnp.float32) for _ in range(3)),
        tuple(pltpu.SemaphoreType.DMA for _ in range(3)),
        tuple(pltpu.SemaphoreType.DMA for _ in range(3)),
        tuple(pltpu.SemaphoreType.DMA for _ in range(3)),
    ),
)
def _sc_segment_sum(src_hbm, dst_hbm, hsrc_hbm, zf_hbm,
                    feats_out, counts_out,
                    feats_sp, cnt_v, zf_v, sidx, didx, rows, gsem, ssem,
                    isem):
    cid = lax.axis_index("c")
    sid = lax.axis_index("s")
    wid = cid * NS + sid

    ebase = wid * EPT
    ones16 = jnp.ones((L,), jnp.float32)

    def clamped_base(c):
        return jnp.minimum(ebase + c * CHUNK, E - CHUNK)

    def load_idx(c, ring):
        base = clamped_base(c)
        pltpu.sync_copy(src_hbm.at[pl.ds(base, CHUNK)], sidx[ring])
        pltpu.sync_copy(dst_hbm.at[pl.ds(base, CHUNK)], didx[ring])

    def bump_counts(ring):
        for j in range(CHUNK // L):
            plsc.addupdate_scatter(cnt_v, [didx[ring][pl.ds(j * L, L)]], ones16)

    load_idx(0, 0)
    load_idx(1, 1)
    pltpu.async_copy(hsrc_hbm.at[sidx[0]], rows[0], gsem[0])
    pltpu.async_copy(hsrc_hbm.at[sidx[1]], rows[1], gsem[1])
    pltpu.async_copy(src_hbm.at[pl.ds(clamped_base(2), CHUNK)], sidx[2],
                     isem[2])

    pltpu.sync_copy(zf_hbm, zf_v)
    row0 = sid * RPT
    for k in range(RPT // ZBLK):
        pltpu.sync_copy(zf_v, feats_sp.at[pl.ds(row0 + k * ZBLK, ZBLK)])

    @pl.loop(0, NPAD // L)
    def zero_cnt(i):
        cnt_v[pl.ds(i * L, L)] = jnp.zeros((L,), jnp.float32)

    plsc.subcore_barrier()

    pltpu.make_async_copy(hsrc_hbm.at[sidx[0]], rows[0], gsem[0]).wait()
    pltpu.async_copy(rows[0], feats_sp.at[didx[0]], ssem[0], add=True)
    bump_counts(0)
    pltpu.make_async_copy(src_hbm.at[pl.ds(0, CHUNK)], sidx[2],
                          isem[2]).wait()
    pltpu.async_copy(hsrc_hbm.at[sidx[2]], rows[2], gsem[2])
    pltpu.sync_copy(dst_hbm.at[pl.ds(clamped_base(2), CHUNK)], didx[2])

    @pl.loop(0, (NCHUNK - 2) // 3)
    def step(i):
        for u in range(3):
            c = 1 + i * 3 + u
            r = (1 + u) % 3
            rp = u
            pltpu.make_async_copy(hsrc_hbm.at[sidx[r]], rows[r],
                                  gsem[r]).wait()
            pltpu.async_copy(src_hbm.at[pl.ds(clamped_base(c + 2), CHUNK)],
                             sidx[rp], isem[rp])
            pltpu.async_copy(rows[r], feats_sp.at[didx[r]], ssem[r],
                             add=True)
            pltpu.make_async_copy(rows[rp], feats_sp.at[didx[rp]],
                                  ssem[rp]).wait()
            pltpu.make_async_copy(src_hbm.at[pl.ds(0, CHUNK)], sidx[rp],
                                  isem[rp]).wait()

            @pl.when(c < NCHUNK - 2)
            def _():
                pltpu.async_copy(hsrc_hbm.at[sidx[rp]], rows[rp], gsem[rp])

            bump_counts(r)
            pltpu.sync_copy(dst_hbm.at[pl.ds(clamped_base(c + 2), CHUNK)],
                            didx[rp])

    pltpu.make_async_copy(hsrc_hbm.at[sidx[1]], rows[1], gsem[1]).wait()
    pltpu.async_copy(rows[1], feats_sp.at[didx[1]], ssem[1], add=True)
    bump_counts(1)
    pltpu.make_async_copy(rows[0], feats_sp.at[didx[0]], ssem[0]).wait()
    pltpu.make_async_copy(rows[1], feats_sp.at[didx[1]], ssem[1]).wait()
    plsc.subcore_barrier()

    obase = cid * NPAD + row0
    pltpu.sync_copy(feats_sp.at[pl.ds(row0, RPT)],
                    feats_out.at[pl.ds(obase, RPT)])
    pltpu.sync_copy(cnt_v, counts_out.at[wid])


ROWS_BLK = 512
GRID = NPAD // ROWS_BLK


def _tc_body(f_ref, c_ref, hd_ref, w_ref, b_ref, o_ref):
    s = f_ref[0] + f_ref[1]
    cnt = jnp.sum(c_ref[...], axis=0)[:, None]
    h_n = s / jnp.maximum(cnt, 1.0)
    w_self = w_ref[:, :D]
    w_neigh = w_ref[:, D:]
    o = lax.dot_general(hd_ref[...], w_self, (((1,), (1,)), ((), ())),
                        preferred_element_type=jnp.float32)
    o = o + lax.dot_general(h_n, w_neigh, (((1,), (1,)), ((), ())),
                            preferred_element_type=jnp.float32)
    o_ref[...] = o + b_ref[...]


def kernel(edge_index, h_src, h_dst, W, b):
    src = edge_index[0]
    dst = edge_index[1]
    zf = jnp.zeros((ZBLK, D), jnp.float32)

    feats, counts = _sc_segment_sum(src, dst, h_src, zf)

    hd_pad = jnp.concatenate(
        [h_dst, jnp.zeros((NPAD - N, D), h_dst.dtype)], axis=0)

    out = pl.pallas_call(
        _tc_body,
        grid=(GRID,),
        in_specs=[
            pl.BlockSpec((NC, ROWS_BLK, D), lambda i: (0, i, 0)),
            pl.BlockSpec((NW, ROWS_BLK), lambda i: (0, i)),
            pl.BlockSpec((ROWS_BLK, D), lambda i: (i, 0)),
            pl.BlockSpec((OUT, 2 * D), lambda i: (0, 0)),
            pl.BlockSpec((1, OUT), lambda i: (0, 0)),
        ],
        out_specs=pl.BlockSpec((ROWS_BLK, OUT), lambda i: (i, 0)),
        out_shape=jax.ShapeDtypeStruct((NPAD, OUT), jnp.float32),
    )(feats.reshape(NC, NPAD, D), counts, hd_pad, W, b.reshape(1, OUT))
    return out[:N]

# --- scband reference (transcript-rebuilt; emitter-appended) ---
"""Pipeline reference for scband-sageconv-74526272520731 (READ-ONLY COPY).

The authoritative reference and input builder live on the scoring server;
editing this copy changes nothing except your own understanding.
"""

import jax, jax.numpy as jnp
import numpy as np

N = 10000
E = 320000
D = 128
OUT = 128


def setup_inputs(seed: int = 0) -> dict:
    key = jax.random.key(seed)
    k1, k2, k3, k4, k5 = jax.random.split(key, 5)
    h_src = jax.random.normal(k1, (N, D), dtype=jnp.float32)
    h_dst = jax.random.normal(k2, (N, D), dtype=jnp.float32)
    edge_index = jax.random.randint(k3, (2, E), 0, N, dtype=jnp.int32)
    # nn.Linear(in_feat*2, out_feat): weight [OUT, 2*D], bias [OUT]
    bound = 1.0 / np.sqrt(2 * D)
    W = jax.random.uniform(k4, (OUT, 2 * D), dtype=jnp.float32, minval=-bound, maxval=bound)
    b = jax.random.uniform(k5, (OUT,), dtype=jnp.float32, minval=-bound, maxval=bound)
    return {"edge_index": edge_index, "h_src": h_src, "h_dst": h_dst, "W": W, "b": b}


def reference(edge_index, h_src, h_dst, W, b):
    src = edge_index[0]
    dst = edge_index[1]
    # message: copy_u('h','m') -> gather source features along edges
    msgs = jnp.take(h_src, src, axis=0)
    # reduce: mean('m','h_N') -> segment sum / in-degree (0 for isolated nodes, matching DGL)
    summed = jax.ops.segment_sum(msgs, dst, num_segments=N)
    counts = jax.ops.segment_sum(jnp.ones((E,), dtype=jnp.float32), dst, num_segments=N)
    h_N = summed / jnp.maximum(counts, 1.0)[:, None]
    h_total = jnp.concatenate([h_dst, h_N], axis=1)
    return h_total @ W.T + b

if __name__ == "__main__":
    import jax
    _d = setup_inputs()
    print(jax.jit(kernel)(*tuple(_d.values())))

</pallas_src>

<mosaic_0001>
#map = affine_map<(d0, d1) -> (0)>
#map1 = affine_map<(d0, d1) -> (0, 0)>
module attributes {stable_mosaic.version = 14 : i64} {
  func.func @_sc_segment_sum(%arg0: i32, %arg1: i32, %arg2: memref<320000xi32, #tpu.memory_space<hbm>>, %arg3: memref<320000xi32, #tpu.memory_space<hbm>>, %arg4: memref<10000x128xf32, #tpu.memory_space<hbm>>, %arg5: memref<32x128xf32, #tpu.memory_space<hbm>>, %arg6: memref<20480x128xf32, #tpu.memory_space<hbm>>, %arg7: memref<32x10240xf32, #tpu.memory_space<hbm>>, %arg8: memref<10240x128xf32, #tpu.memory_space<vmem_shared>>, %arg9: memref<10240xf32, #tpu.memory_space<vmem>>, %arg10: memref<32x128xf32, #tpu.memory_space<vmem>>, %arg11: memref<80xi32, #tpu.memory_space<vmem>>, %arg12: memref<80xi32, #tpu.memory_space<vmem>>, %arg13: memref<80xi32, #tpu.memory_space<vmem>>, %arg14: memref<80xi32, #tpu.memory_space<vmem>>, %arg15: memref<80xi32, #tpu.memory_space<vmem>>, %arg16: memref<80xi32, #tpu.memory_space<vmem>>, %arg17: memref<80x128xf32, #tpu.memory_space<vmem>>, %arg18: memref<80x128xf32, #tpu.memory_space<vmem>>, %arg19: memref<80x128xf32, #tpu.memory_space<vmem>>, %arg20: memref<!tpu.dma_semaphore, #tpu.memory_space<semaphore_mem>>, %arg21: memref<!tpu.dma_semaphore, #tpu.memory_space<semaphore_mem>>, %arg22: memref<!tpu.dma_semaphore, #tpu.memory_space<semaphore_mem>>, %arg23: memref<!tpu.dma_semaphore, #tpu.memory_space<semaphore_mem>>, %arg24: memref<!tpu.dma_semaphore, #tpu.memory_space<semaphore_mem>>, %arg25: memref<!tpu.dma_semaphore, #tpu.memory_space<semaphore_mem>>, %arg26: memref<!tpu.dma_semaphore, #tpu.memory_space<semaphore_mem>>, %arg27: memref<!tpu.dma_semaphore, #tpu.memory_space<semaphore_mem>>, %arg28: memref<!tpu.dma_semaphore, #tpu.memory_space<semaphore_mem>>) attributes {dimension_semantics = [#tpu.dimension_semantics<core_parallel>, #tpu.dimension_semantics<subcore_parallel>], iteration_bounds = array<i64: 2, 16>, scalar_prefetch = 0 : i64, scratch_operands = 21 : i64, tpu.core_type = #tpu.core_type<sc_vector_subcore>, window_params = [{transform_indices = #map}, {transform_indices = #map}, {transform_indices = #map1}, {transform_indices = #map1}, {transform_indices = #map1}, {transform_indices = #map1}]} {
    %mul3A = arith.constant 16 : i32
    %mul3A_0 = arith.muli %arg0, %mul3A : i32
    %add3A = arith.addi %mul3A_0, %arg1 : i32
    %mul3A_1 = arith.constant 10000 : i32
    %mul3A_2 = arith.muli %add3A, %mul3A_1 : i32
    %broadcast_in_dim3A = arith.constant 1.000000e+00 : f32
    %broadcast_in_dim3A_3 = vector.broadcast %broadcast_in_dim3A : f32 to vector<16xf32>
    %add3A_4 = arith.constant 0 : i32
    %add3A_5 = arith.addi %mul3A_2, %add3A_4 : i32
    %min3A = arith.constant 319920 : i32
    %min3A_6 = arith.minsi %add3A_5, %min3A : i32
    "tpu.region"() ({
      %run_scoped3A = tpu.sem_alloc : memref<!tpu.dma_semaphore, #tpu.memory_space<semaphore_mem>>
      %dma_start3A_124 = tpu.memref_slice %arg2[%min3A_6] : memref<320000xi32, #tpu.memory_space<hbm>> -> memref<80xi32, #tpu.memory_space<hbm>>
      %dma_start3A_125 = tpu.memref_slice %arg2[%min3A_6] : memref<320000xi32, #tpu.memory_space<hbm>> -> memref<80xi32, #tpu.memory_space<hbm>>
      tpu.enqueue_dma source(%dma_start3A_125 : memref<80xi32, #tpu.memory_space<hbm>>) target(%arg11 : memref<80xi32, #tpu.memory_space<vmem>>) target_semaphore(%run_scoped3A : memref<!tpu.dma_semaphore, #tpu.memory_space<semaphore_mem>>)
      %dma_wait3A_126 = tpu.memref_slice %arg2[%min3A_6] : memref<320000xi32, #tpu.memory_space<hbm>> -> memref<80xi32, #tpu.memory_space<hbm>>
      %dma_wait3A_127 = tpu.memref_slice %arg2[%min3A_6] : memref<320000xi32, #tpu.memory_space<hbm>> -> memref<80xi32, #tpu.memory_space<hbm>>
      tpu.wait_dma2 semaphore(%run_scoped3A : memref<!tpu.dma_semaphore, #tpu.memory_space<semaphore_mem>>) src(%dma_wait3A_127 : memref<80xi32, #tpu.memory_space<hbm>>) dst(%arg11 : memref<80xi32, #tpu.memory_space<vmem>>)
      tpu.yield
    }) : () -> ()
    "tpu.region"() ({
      %run_scoped3A = tpu.sem_alloc : memref<!tpu.dma_semaphore, #tpu.memory_space<semaphore_mem>>
      %dma_start3A_124 = tpu.memref_slice %arg3[%min3A_6] : memref<320000xi32, #tpu.memory_space<hbm>> -> memref<80xi32, #tpu.memory_space<hbm>>
      %dma_start3A_125 = tpu.memref_slice %arg3[%min3A_6] : memref<320000xi32, #tpu.memory_space<hbm>> -> memref<80xi32, #tpu.memory_space<hbm>>
      tpu.enqueue_dma source(%dma_start3A_125 : memref<80xi32, #tpu.memory_space<hbm>>) target(%arg14 : memref<80xi32, #tpu.memory_space<vmem>>) target_semaphore(%run_scoped3A : memref<!tpu.dma_semaphore, #tpu.memory_space<semaphore_mem>>)
      %dma_wait3A_126 = tpu.memref_slice %arg3[%min3A_6] : memref<320000xi32, #tpu.memory_space<hbm>> -> memref<80xi32, #tpu.memory_space<hbm>>
      %dma_wait3A_127 = tpu.memref_slice %arg3[%min3A_6] : memref<320000xi32, #tpu.memory_space<hbm>> -> memref<80xi32, #tpu.memory_space<hbm>>
      tpu.wait_dma2 semaphore(%run_scoped3A : memref<!tpu.dma_semaphore, #tpu.memory_space<semaphore_mem>>) src(%dma_wait3A_127 : memref<80xi32, #tpu.memory_space<hbm>>) dst(%arg14 : memref<80xi32, #tpu.memory_space<vmem>>)
      tpu.yield
    }) : () -> ()
    %add3A_7 = arith.constant 80 : i32
    %add3A_8 = arith.addi %mul3A_2, %add3A_7 : i32
    %min3A_9 = arith.constant 319920 : i32
    %min3A_10 = arith.minsi %add3A_8, %min3A_9 : i32
    "tpu.region"() ({
      %run_scoped3A = tpu.sem_alloc : memref<!tpu.dma_semaphore, #tpu.memory_space<semaphore_mem>>
      %dma_start3A_124 = tpu.memref_slice %arg2[%min3A_10] : memref<320000xi32, #tpu.memory_space<hbm>> -> memref<80xi32, #tpu.memory_space<hbm>>
      %dma_start3A_125 = tpu.memref_slice %arg2[%min3A_10] : memref<320000xi32, #tpu.memory_space<hbm>> -> memref<80xi32, #tpu.memory_space<hbm>>
      tpu.enqueue_dma source(%dma_start3A_125 : memref<80xi32, #tpu.memory_space<hbm>>) target(%arg12 : memref<80xi32, #tpu.memory_space<vmem>>) target_semaphore(%run_scoped3A : memref<!tpu.dma_semaphore, #tpu.memory_space<semaphore_mem>>)
      %dma_wait3A_126 = tpu.memref_slice %arg2[%min3A_10] : memref<320000xi32, #tpu.memory_space<hbm>> -> memref<80xi32, #tpu.memory_space<hbm>>
      %dma_wait3A_127 = tpu.memref_slice %arg2[%min3A_10] : memref<320000xi32, #tpu.memory_space<hbm>> -> memref<80xi32, #tpu.memory_space<hbm>>
      tpu.wait_dma2 semaphore(%run_scoped3A : memref<!tpu.dma_semaphore, #tpu.memory_space<semaphore_mem>>) src(%dma_wait3A_127 : memref<80xi32, #tpu.memory_space<hbm>>) dst(%arg12 : memref<80xi32, #tpu.memory_space<vmem>>)
      tpu.yield
    }) : () -> ()
    "tpu.region"() ({
      %run_scoped3A = tpu.sem_alloc : memref<!tpu.dma_semaphore, #tpu.memory_space<semaphore_mem>>
      %dma_start3A_124 = tpu.memref_slice %arg3[%min3A_10] : memref<320000xi32, #tpu.memory_space<hbm>> -> memref<80xi32, #tpu.memory_space<hbm>>
      %dma_start3A_125 = tpu.memref_slice %arg3[%min3A_10] : memref<320000xi32, #tpu.memory_space<hbm>> -> memref<80xi32, #tpu.memory_space<hbm>>
      tpu.enqueue_dma source(%dma_start3A_125 : memref<80xi32, #tpu.memory_space<hbm>>) target(%arg15 : memref<80xi32, #tpu.memory_space<vmem>>) target_semaphore(%run_scoped3A : memref<!tpu.dma_semaphore, #tpu.memory_space<semaphore_mem>>)
      %dma_wait3A_126 = tpu.memref_slice %arg3[%min3A_10] : memref<320000xi32, #tpu.memory_space<hbm>> -> memref<80xi32, #tpu.memory_space<hbm>>
      %dma_wait3A_127 = tpu.memref_slice %arg3[%min3A_10] : memref<320000xi32, #tpu.memory_space<hbm>> -> memref<80xi32, #tpu.memory_space<hbm>>
      tpu.wait_dma2 semaphore(%run_scoped3A : memref<!tpu.dma_semaphore, #tpu.memory_space<semaphore_mem>>) src(%dma_wait3A_127 : memref<80xi32, #tpu.memory_space<hbm>>) dst(%arg15 : memref<80xi32, #tpu.memory_space<vmem>>)
      tpu.yield
    }) : () -> ()
    %dma_start3A = arith.constant 0 : i32
    %dma_start3A_11 = arith.constant 0 : i32
    %dma_start3A_12 = tpu.memref_slice %arg4[%dma_start3A, %dma_start3A_11] : memref<10000x128xf32, #tpu.memory_space<hbm>> -> memref<10000x128xf32, #tpu.memory_space<hbm>>
    tpu.enqueue_indirect_dma source(%dma_start3A_12 : memref<10000x128xf32, #tpu.memory_space<hbm>>) target(%arg17 : memref<80x128xf32, #tpu.memory_space<vmem>>) offsets(%arg11 : memref<80xi32, #tpu.memory_space<vmem>>) semaphore(%arg20 : memref<!tpu.dma_semaphore, #tpu.memory_space<semaphore_mem>>)
    %dma_start3A_13 = arith.constant 0 : i32
    %dma_start3A_14 = arith.constant 0 : i32
    %dma_start3A_15 = tpu.memref_slice %arg4[%dma_start3A_13, %dma_start3A_14] : memref<10000x128xf32, #tpu.memory_space<hbm>> -> memref<10000x128xf32, #tpu.memory_space<hbm>>
    tpu.enqueue_indirect_dma source(%dma_start3A_15 : memref<10000x128xf32, #tpu.memory_space<hbm>>) target(%arg18 : memref<80x128xf32, #tpu.memory_space<vmem>>) offsets(%arg12 : memref<80xi32, #tpu.memory_space<vmem>>) semaphore(%arg21 : memref<!tpu.dma_semaphore, #tpu.memory_space<semaphore_mem>>)
    %add3A_16 = arith.constant 160 : i32
    %add3A_17 = arith.addi %mul3A_2, %add3A_16 : i32
    %min3A_18 = arith.constant 319920 : i32
    %min3A_19 = arith.minsi %add3A_17, %min3A_18 : i32
    %dma_start3A_20 = tpu.memref_slice %arg2[%min3A_19] : memref<320000xi32, #tpu.memory_space<hbm>> -> memref<80xi32, #tpu.memory_space<hbm>>
    %dma_start3A_21 = tpu.memref_slice %arg2[%min3A_19] : memref<320000xi32, #tpu.memory_space<hbm>> -> memref<80xi32, #tpu.memory_space<hbm>>
    tpu.enqueue_dma source(%dma_start3A_21 : memref<80xi32, #tpu.memory_space<hbm>>) target(%arg13 : memref<80xi32, #tpu.memory_space<vmem>>) target_semaphore(%arg28 : memref<!tpu.dma_semaphore, #tpu.memory_space<semaphore_mem>>)
    "tpu.region"() ({
      %run_scoped3A = tpu.sem_alloc : memref<!tpu.dma_semaphore, #tpu.memory_space<semaphore_mem>>
      tpu.enqueue_dma source(%arg5 : memref<32x128xf32, #tpu.memory_space<hbm>>) target(%arg10 : memref<32x128xf32, #tpu.memory_space<vmem>>) target_semaphore(%run_scoped3A : memref<!tpu.dma_semaphore, #tpu.memory_space<semaphore_mem>>)
      tpu.wait_dma2 semaphore(%run_scoped3A : memref<!tpu.dma_semaphore, #tpu.memory_space<semaphore_mem>>) src(%arg5 : memref<32x128xf32, #tpu.memory_space<hbm>>) dst(%arg10 : memref<32x128xf32, #tpu.memory_space<vmem>>)
      tpu.yield
    }) : () -> ()
    %mul3A_22 = arith.constant 640 : i32
    %mul3A_23 = arith.muli %arg1, %mul3A_22 : i32
    %add3A_24 = arith.constant 0 : i32
    %add3A_25 = arith.addi %mul3A_23, %add3A_24 : i32
    "tpu.region"() ({
      %run_scoped3A = tpu.sem_alloc : memref<!tpu.dma_semaphore, #tpu.memory_space<semaphore_mem>>
      %dma_start3A_124 = arith.constant 0 : i32
      %dma_start3A_125 = tpu.memref_slice %arg8[%add3A_25, %dma_start3A_124] : memref<10240x128xf32, #tpu.memory_space<vmem_shared>> -> memref<32x128xf32, #tpu.memory_space<vmem_shared>>
      %dma_start3A_126 = arith.constant 0 : i32
      %dma_start3A_127 = tpu.memref_slice %arg8[%add3A_25, %dma_start3A_126] : memref<10240x128xf32, #tpu.memory_space<vmem_shared>> -> memref<32x128xf32, #tpu.memory_space<vmem_shared>>
      tpu.enqueue_dma source(%arg10 : memref<32x128xf32, #tpu.memory_space<vmem>>) target(%dma_start3A_127 : memref<32x128xf32, #tpu.memory_space<vmem_shared>>) target_semaphore(%run_scoped3A : memref<!tpu.dma_semaphore, #tpu.memory_space<semaphore_mem>>)
      %dma_wait3A_128 = arith.constant 0 : i32
      %dma_wait3A_129 = tpu.memref_slice %arg8[%add3A_25, %dma_wait3A_128] : memref<10240x128xf32, #tpu.memory_space<vmem_shared>> -> memref<32x128xf32, #tpu.memory_space<vmem_shared>>
      %dma_wait3A_130 = arith.constant 0 : i32
      %dma_wait3A_131 = tpu.memref_slice %arg8[%add3A_25, %dma_wait3A_130] : memref<10240x128xf32, #tpu.memory_space<vmem_shared>> -> memref<32x128xf32, #tpu.memory_space<vmem_shared>>
      tpu.wait_dma2 semaphore(%run_scoped3A : memref<!tpu.dma_semaphore, #tpu.memory_space<semaphore_mem>>) src(%arg10 : memref<32x128xf32, #tpu.memory_space<vmem>>) dst(%dma_wait3A_131 : memref<32x128xf32, #tpu.memory_space<vmem_shared>>)
      tpu.yield
    }) : () -> ()
    %add3A_26 = arith.constant 32 : i32
    %add3A_27 = arith.addi %mul3A_23, %add3A_26 : i32
    "tpu.region"() ({
      %run_scoped3A = tpu.sem_alloc : memref<!tpu.dma_semaphore, #tpu.memory_space<semaphore_mem>>
      %dma_start3A_124 = arith.constant 0 : i32
      %dma_start3A_125 = tpu.memref_slice %arg8[%add3A_27, %dma_start3A_124] : memref<10240x128xf32, #tpu.memory_space<vmem_shared>> -> memref<32x128xf32, #tpu.memory_space<vmem_shared>>
      %dma_start3A_126 = arith.constant 0 : i32
      %dma_start3A_127 = tpu.memref_slice %arg8[%add3A_27, %dma_start3A_126] : memref<10240x128xf32, #tpu.memory_space<vmem_shared>> -> memref<32x128xf32, #tpu.memory_space<vmem_shared>>
      tpu.enqueue_dma source(%arg10 : memref<32x128xf32, #tpu.memory_space<vmem>>) target(%dma_start3A_127 : memref<32x128xf32, #tpu.memory_space<vmem_shared>>) target_semaphore(%run_scoped3A : memref<!tpu.dma_semaphore, #tpu.memory_space<semaphore_mem>>)
      %dma_wait3A_128 = arith.constant 0 : i32
      %dma_wait3A_129 = tpu.memref_slice %arg8[%add3A_27, %dma_wait3A_128] : memref<10240x128xf32, #tpu.memory_space<vmem_shared>> -> memref<32x128xf32, #tpu.memory_space<vmem_shared>>
      %dma_wait3A_130 = arith.constant 0 : i32
      %dma_wait3A_131 = tpu.memref_slice %arg8[%add3A_27, %dma_wait3A_130] : memref<10240x128xf32, #tpu.memory_space<vmem_shared>> -> memref<32x128xf32, #tpu.memory_space<vmem_shared>>
      tpu.wait_dma2 semaphore(%run_scoped3A : memref<!tpu.dma_semaphore, #tpu.memory_space<semaphore_mem>>) src(%arg10 : memref<32x128xf32, #tpu.memory_space<vmem>>) dst(%dma_wait3A_131 : memref<32x128xf32, #tpu.memory_space<vmem_shared>>)
      tpu.yield
    }) : () -> ()
    %add3A_28 = arith.constant 64 : i32
    %add3A_29 = arith.addi %mul3A_23, %add3A_28 : i32
    "tpu.region"() ({
      %run_scoped3A = tpu.sem_alloc : memref<!tpu.dma_semaphore, #tpu.memory_space<semaphore_mem>>
      %dma_start3A_124 = arith.constant 0 : i32
      %dma_start3A_125 = tpu.memref_slice %arg8[%add3A_29, %dma_start3A_124] : memref<10240x128xf32, #tpu.memory_space<vmem_shared>> -> memref<32x128xf32, #tpu.memory_space<vmem_shared>>
      %dma_start3A_126 = arith.constant 0 : i32
      %dma_start3A_127 = tpu.memref_slice %arg8[%add3A_29, %dma_start3A_126] : memref<10240x128xf32, #tpu.memory_space<vmem_shared>> -> memref<32x128xf32, #tpu.memory_space<vmem_shared>>
      tpu.enqueue_dma source(%arg10 : memref<32x128xf32, #tpu.memory_space<vmem>>) target(%dma_start3A_127 : memref<32x128xf32, #tpu.memory_space<vmem_shared>>) target_semaphore(%run_scoped3A : memref<!tpu.dma_semaphore, #tpu.memory_space<semaphore_mem>>)
      %dma_wait3A_128 = arith.constant 0 : i32
      %dma_wait3A_129 = tpu.memref_slice %arg8[%add3A_29, %dma_wait3A_128] : memref<10240x128xf32, #tpu.memory_space<vmem_shared>> -> memref<32x128xf32, #tpu.memory_space<vmem_shared>>
      %dma_wait3A_130 = arith.constant 0 : i32
      %dma_wait3A_131 = tpu.memref_slice %arg8[%add3A_29, %dma_wait3A_130] : memref<10240x128xf32, #tpu.memory_space<vmem_shared>> -> memref<32x128xf32, #tpu.memory_space<vmem_shared>>
      tpu.wait_dma2 semaphore(%run_scoped3A : memref<!tpu.dma_semaphore, #tpu.memory_space<semaphore_mem>>) src(%arg10 : memref<32x128xf32, #tpu.memory_space<vmem>>) dst(%dma_wait3A_131 : memref<32x128xf32, #tpu.memory_space<vmem_shared>>)
      tpu.yield
    }) : () -> ()
    %add3A_30 = arith.constant 96 : i32
    %add3A_31 = arith.addi %mul3A_23, %add3A_30 : i32
    "tpu.region"() ({
      %run_scoped3A = tpu.sem_alloc : memref<!tpu.dma_semaphore, #tpu.memory_space<semaphore_mem>>
      %dma_start3A_124 = arith.constant 0 : i32
      %dma_start3A_125 = tpu.memref_slice %arg8[%add3A_31, %dma_start3A_124] : memref<10240x128xf32, #tpu.memory_space<vmem_shared>> -> memref<32x128xf32, #tpu.memory_space<vmem_shared>>
      %dma_start3A_126 = arith.constant 0 : i32
      %dma_start3A_127 = tpu.memref_slice %arg8[%add3A_31, %dma_start3A_126] : memref<10240x128xf32, #tpu.memory_space<vmem_shared>> -> memref<32x128xf32, #tpu.memory_space<vmem_shared>>
      tpu.enqueue_dma source(%arg10 : memref<32x128xf32, #tpu.memory_space<vmem>>) target(%dma_start3A_127 : memref<32x128xf32, #tpu.memory_space<vmem_shared>>) target_semaphore(%run_scoped3A : memref<!tpu.dma_semaphore, #tpu.memory_space<semaphore_mem>>)
      %dma_wait3A_128 = arith.constant 0 : i32
      %dma_wait3A_129 = tpu.memref_slice %arg8[%add3A_31, %dma_wait3A_128] : memref<10240x128xf32, #tpu.memory_space<vmem_shared>> -> memref<32x128xf32, #tpu.memory_space<vmem_shared>>
      %dma_wait3A_130 = arith.constant 0 : i32
      %dma_wait3A_131 = tpu.memref_slice %arg8[%add3A_31, %dma_wait3A_130] : memref<10240x128xf32, #tpu.memory_space<vmem_shared>> -> memref<32x128xf32, #tpu.memory_space<vmem_shared>>
      tpu.wait_dma2 semaphore(%run_scoped3A : memref<!tpu.dma_semaphore, #tpu.memory_space<semaphore_mem>>) src(%arg10 : memref<32x128xf32, #tpu.memory_space<vmem>>) dst(%dma_wait3A_131 : memref<32x128xf32, #tpu.memory_space<vmem_shared>>)
      tpu.yield
    }) : () -> ()
    %add3A_32 = arith.constant 128 : i32
    %add3A_33 = arith.addi %mul3A_23, %add3A_32 : i32
    "tpu.region"() ({
      %run_scoped3A = tpu.sem_alloc : memref<!tpu.dma_semaphore, #tpu.memory_space<semaphore_mem>>
      %dma_start3A_124 = arith.constant 0 : i32
      %dma_start3A_125 = tpu.memref_slice %arg8[%add3A_33, %dma_start3A_124] : memref<10240x128xf32, #tpu.memory_space<vmem_shared>> -> memref<32x128xf32, #tpu.memory_space<vmem_shared>>
      %dma_start3A_126 = arith.constant 0 : i32
      %dma_start3A_127 = tpu.memref_slice %arg8[%add3A_33, %dma_start3A_126] : memref<10240x128xf32, #tpu.memory_space<vmem_shared>> -> memref<32x128xf32, #tpu.memory_space<vmem_shared>>
      tpu.enqueue_dma source(%arg10 : memref<32x128xf32, #tpu.memory_space<vmem>>) target(%dma_start3A_127 : memref<32x128xf32, #tpu.memory_space<vmem_shared>>) target_semaphore(%run_scoped3A : memref<!tpu.dma_semaphore, #tpu.memory_space<semaphore_mem>>)
      %dma_wait3A_128 = arith.constant 0 : i32
      %dma_wait3A_129 = tpu.memref_slice %arg8[%add3A_33, %dma_wait3A_128] : memref<10240x128xf32, #tpu.memory_space<vmem_shared>> -> memref<32x128xf32, #tpu.memory_space<vmem_shared>>
      %dma_wait3A_130 = arith.constant 0 : i32
      %dma_wait3A_131 = tpu.memref_slice %arg8[%add3A_33, %dma_wait3A_130] : memref<10240x128xf32, #tpu.memory_space<vmem_shared>> -> memref<32x128xf32, #tpu.memory_space<vmem_shared>>
      tpu.wait_dma2 semaphore(%run_scoped3A : memref<!tpu.dma_semaphore, #tpu.memory_space<semaphore_mem>>) src(%arg10 : memref<32x128xf32, #tpu.memory_space<vmem>>) dst(%dma_wait3A_131 : memref<32x128xf32, #tpu.memory_space<vmem_shared>>)
      tpu.yield
    }) : () -> ()
    %add3A_34 = arith.constant 160 : i32
    %add3A_35 = arith.addi %mul3A_23, %add3A_34 : i32
    "tpu.region"() ({
      %run_scoped3A = tpu.sem_alloc : memref<!tpu.dma_semaphore, #tpu.memory_space<semaphore_mem>>
      %dma_start3A_124 = arith.constant 0 : i32
      %dma_start3A_125 = tpu.memref_slice %arg8[%add3A_35, %dma_start3A_124] : memref<10240x128xf32, #tpu.memory_space<vmem_shared>> -> memref<32x128xf32, #tpu.memory_space<vmem_shared>>
      %dma_start3A_126 = arith.constant 0 : i32
      %dma_start3A_127 = tpu.memref_slice %arg8[%add3A_35, %dma_start3A_126] : memref<10240x128xf32, #tpu.memory_space<vmem_shared>> -> memref<32x128xf32, #tpu.memory_space<vmem_shared>>
      tpu.enqueue_dma source(%arg10 : memref<32x128xf32, #tpu.memory_space<vmem>>) target(%dma_start3A_127 : memref<32x128xf32, #tpu.memory_space<vmem_shared>>) target_semaphore(%run_scoped3A : memref<!tpu.dma_semaphore, #tpu.memory_space<semaphore_mem>>)
      %dma_wait3A_128 = arith.constant 0 : i32
      %dma_wait3A_129 = tpu.memref_slice %arg8[%add3A_35, %dma_wait3A_128] : memref<10240x128xf32, #tpu.memory_space<vmem_shared>> -> memref<32x128xf32, #tpu.memory_space<vmem_shared>>
      %dma_wait3A_130 = arith.constant 0 : i32
      %dma_wait3A_131 = tpu.memref_slice %arg8[%add3A_35, %dma_wait3A_130] : memref<10240x128xf32, #tpu.memory_space<vmem_shared>> -> memref<32x128xf32, #tpu.memory_space<vmem_shared>>
      tpu.wait_dma2 semaphore(%run_scoped3A : memref<!tpu.dma_semaphore, #tpu.memory_space<semaphore_mem>>) src(%arg10 : memref<32x128xf32, #tpu.memory_space<vmem>>) dst(%dma_wait3A_131 : memref<32x128xf32, #tpu.memory_space<vmem_shared>>)
      tpu.yield
    }) : () -> ()
    %add3A_36 = arith.constant 192 : i32
    %add3A_37 = arith.addi %mul3A_23, %add3A_36 : i32
    "tpu.region"() ({
      %run_scoped3A = tpu.sem_alloc : memref<!tpu.dma_semaphore, #tpu.memory_space<semaphore_mem>>
      %dma_start3A_124 = arith.constant 0 : i32
      %dma_start3A_125 = tpu.memref_slice %arg8[%add3A_37, %dma_start3A_124] : memref<10240x128xf32, #tpu.memory_space<vmem_shared>> -> memref<32x128xf32, #tpu.memory_space<vmem_shared>>
      %dma_start3A_126 = arith.constant 0 : i32
      %dma_start3A_127 = tpu.memref_slice %arg8[%add3A_37, %dma_start3A_126] : memref<10240x128xf32, #tpu.memory_space<vmem_shared>> -> memref<32x128xf32, #tpu.memory_space<vmem_shared>>
      tpu.enqueue_dma source(%arg10 : memref<32x128xf32, #tpu.memory_space<vmem>>) target(%dma_start3A_127 : memref<32x128xf32, #tpu.memory_space<vmem_shared>>) target_semaphore(%run_scoped3A : memref<!tpu.dma_semaphore, #tpu.memory_space<semaphore_mem>>)
      %dma_wait3A_128 = arith.constant 0 : i32
      %dma_wait3A_129 = tpu.memref_slice %arg8[%add3A_37, %dma_wait3A_128] : memref<10240x128xf32, #tpu.memory_space<vmem_shared>> -> memref<32x128xf32, #tpu.memory_space<vmem_shared>>
      %dma_wait3A_130 = arith.constant 0 : i32
      %dma_wait3A_131 = tpu.memref_slice %arg8[%add3A_37, %dma_wait3A_130] : memref<10240x128xf32, #tpu.memory_space<vmem_shared>> -> memref<32x128xf32, #tpu.memory_space<vmem_shared>>
      tpu.wait_dma2 semaphore(%run_scoped3A : memref<!tpu.dma_semaphore, #tpu.memory_space<semaphore_mem>>) src(%arg10 : memref<32x128xf32, #tpu.memory_space<vmem>>) dst(%dma_wait3A_131 : memref<32x128xf32, #tpu.memory_space<vmem_shared>>)
      tpu.yield
    }) : () -> ()
    %add3A_38 = arith.constant 224 : i32
    %add3A_39 = arith.addi %mul3A_23, %add3A_38 : i32
    "tpu.region"() ({
      %run_scoped3A = tpu.sem_alloc : memref<!tpu.dma_semaphore, #tpu.memory_space<semaphore_mem>>
      %dma_start3A_124 = arith.constant 0 : i32
      %dma_start3A_125 = tpu.memref_slice %arg8[%add3A_39, %dma_start3A_124] : memref<10240x128xf32, #tpu.memory_space<vmem_shared>> -> memref<32x128xf32, #tpu.memory_space<vmem_shared>>
      %dma_start3A_126 = arith.constant 0 : i32
      %dma_start3A_127 = tpu.memref_slice %arg8[%add3A_39, %dma_start3A_126] : memref<10240x128xf32, #tpu.memory_space<vmem_shared>> -> memref<32x128xf32, #tpu.memory_space<vmem_shared>>
      tpu.enqueue_dma source(%arg10 : memref<32x128xf32, #tpu.memory_space<vmem>>) target(%dma_start3A_127 : memref<32x128xf32, #tpu.memory_space<vmem_shared>>) target_semaphore(%run_scoped3A : memref<!tpu.dma_semaphore, #tpu.memory_space<semaphore_mem>>)
      %dma_wait3A_128 = arith.constant 0 : i32
      %dma_wait3A_129 = tpu.memref_slice %arg8[%add3A_39, %dma_wait3A_128] : memref<10240x128xf32, #tpu.memory_space<vmem_shared>> -> memref<32x128xf32, #tpu.memory_space<vmem_shared>>
      %dma_wait3A_130 = arith.constant 0 : i32
      %dma_wait3A_131 = tpu.memref_slice %arg8[%add3A_39, %dma_wait3A_130] : memref<10240x128xf32, #tpu.memory_space<vmem_shared>> -> memref<32x128xf32, #tpu.memory_space<vmem_shared>>
      tpu.wait_dma2 semaphore(%run_scoped3A : memref<!tpu.dma_semaphore, #tpu.memory_space<semaphore_mem>>) src(%arg10 : memref<32x128xf32, #tpu.memory_space<vmem>>) dst(%dma_wait3A_131 : memref<32x128xf32, #tpu.memory_space<vmem_shared>>)
      tpu.yield
    }) : () -> ()
    %add3A_40 = arith.constant 256 : i32
    %add3A_41 = arith.addi %mul3A_23, %add3A_40 : i32
    "tpu.region"() ({
      %run_scoped3A = tpu.sem_alloc : memref<!tpu.dma_semaphore, #tpu.memory_space<semaphore_mem>>
      %dma_start3A_124 = arith.constant 0 : i32
      %dma_start3A_125 = tpu.memref_slice %arg8[%add3A_41, %dma_start3A_124] : memref<10240x128xf32, #tpu.memory_space<vmem_shared>> -> memref<32x128xf32, #tpu.memory_space<vmem_shared>>
      %dma_start3A_126 = arith.constant 0 : i32
      %dma_start3A_127 = tpu.memref_slice %arg8[%add3A_41, %dma_start3A_126] : memref<10240x128xf32, #tpu.memory_space<vmem_shared>> -> memref<32x128xf32, #tpu.memory_space<vmem_shared>>
      tpu.enqueue_dma source(%arg10 : memref<32x128xf32, #tpu.memory_space<vmem>>) target(%dma_start3A_127 : memref<32x128xf32, #tpu.memory_space<vmem_shared>>) target_semaphore(%run_scoped3A : memref<!tpu.dma_semaphore, #tpu.memory_space<semaphore_mem>>)
      %dma_wait3A_128 = arith.constant 0 : i32
      %dma_wait3A_129 = tpu.memref_slice %arg8[%add3A_41, %dma_wait3A_128] : memref<10240x128xf32, #tpu.memory_space<vmem_shared>> -> memref<32x128xf32, #tpu.memory_space<vmem_shared>>
      %dma_wait3A_130 = arith.constant 0 : i32
      %dma_wait3A_131 = tpu.memref_slice %arg8[%add3A_41, %dma_wait3A_130] : memref<10240x128xf32, #tpu.memory_space<vmem_shared>> -> memref<32x128xf32, #tpu.memory_space<vmem_shared>>
      tpu.wait_dma2 semaphore(%run_scoped3A : memref<!tpu.dma_semaphore, #tpu.memory_space<semaphore_mem>>) src(%arg10 : memref<32x128xf32, #tpu.memory_space<vmem>>) dst(%dma_wait3A_131 : memref<32x128xf32, #tpu.memory_space<vmem_shared>>)
      tpu.yield
    }) : () -> ()
    %add3A_42 = arith.constant 288 : i32
    %add3A_43 = arith.addi %mul3A_23, %add3A_42 : i32
    "tpu.region"() ({
      %run_scoped3A = tpu.sem_alloc : memref<!tpu.dma_semaphore, #tpu.memory_space<semaphore_mem>>
      %dma_start3A_124 = arith.constant 0 : i32
      %dma_start3A_125 = tpu.memref_slice %arg8[%add3A_43, %dma_start3A_124] : memref<10240x128xf32, #tpu.memory_space<vmem_shared>> -> memref<32x128xf32, #tpu.memory_space<vmem_shared>>
      %dma_start3A_126 = arith.constant 0 : i32
      %dma_start3A_127 = tpu.memref_slice %arg8[%add3A_43, %dma_start3A_126] : memref<10240x128xf32, #tpu.memory_space<vmem_shared>> -> memref<32x128xf32, #tpu.memory_space<vmem_shared>>
      tpu.enqueue_dma source(%arg10 : memref<32x128xf32, #tpu.memory_space<vmem>>) target(%dma_start3A_127 : memref<32x128xf32, #tpu.memory_space<vmem_shared>>) target_semaphore(%run_scoped3A : memref<!tpu.dma_semaphore, #tpu.memory_space<semaphore_mem>>)
      %dma_wait3A_128 = arith.constant 0 : i32
      %dma_wait3A_129 = tpu.memref_slice %arg8[%add3A_43, %dma_wait3A_128] : memref<10240x128xf32, #tpu.memory_space<vmem_shared>> -> memref<32x128xf32, #tpu.memory_space<vmem_shared>>
      %dma_wait3A_130 = arith.constant 0 : i32
      %dma_wait3A_131 = tpu.memref_slice %arg8[%add3A_43, %dma_wait3A_130] : memref<10240x128xf32, #tpu.memory_space<vmem_shared>> -> memref<32x128xf32, #tpu.memory_space<vmem_shared>>
      tpu.wait_dma2 semaphore(%run_scoped3A : memref<!tpu.dma_semaphore, #tpu.memory_space<semaphore_mem>>) src(%arg10 : memref<32x128xf32, #tpu.memory_space<vmem>>) dst(%dma_wait3A_131 : memref<32x128xf32, #tpu.memory_space<vmem_shared>>)
      tpu.yield
    }) : () -> ()
    %add3A_44 = arith.constant 320 : i32
    %add3A_45 = arith.addi %mul3A_23, %add3A_44 : i32
    "tpu.region"() ({
      %run_scoped3A = tpu.sem_alloc : memref<!tpu.dma_semaphore, #tpu.memory_space<semaphore_mem>>
      %dma_start3A_124 = arith.constant 0 : i32
      %dma_start3A_125 = tpu.memref_slice %arg8[%add3A_45, %dma_start3A_124] : memref<10240x128xf32, #tpu.memory_space<vmem_shared>> -> memref<32x128xf32, #tpu.memory_space<vmem_shared>>
      %dma_start3A_126 = arith.constant 0 : i32
      %dma_start3A_127 = tpu.memref_slice %arg8[%add3A_45, %dma_start3A_126] : memref<10240x128xf32, #tpu.memory_space<vmem_shared>> -> memref<32x128xf32, #tpu.memory_space<vmem_shared>>
      tpu.enqueue_dma source(%arg10 : memref<32x128xf32, #tpu.memory_space<vmem>>) target(%dma_start3A_127 : memref<32x128xf32, #tpu.memory_space<vmem_shared>>) target_semaphore(%run_scoped3A : memref<!tpu.dma_semaphore, #tpu.memory_space<semaphore_mem>>)
      %dma_wait3A_128 = arith.constant 0 : i32
      %dma_wait3A_129 = tpu.memref_slice %arg8[%add3A_45, %dma_wait3A_128] : memref<10240x128xf32, #tpu.memory_space<vmem_shared>> -> memref<32x128xf32, #tpu.memory_space<vmem_shared>>
      %dma_wait3A_130 = arith.constant 0 : i32
      %dma_wait3A_131 = tpu.memref_slice %arg8[%add3A_45, %dma_wait3A_130] : memref<10240x128xf32, #tpu.memory_space<vmem_shared>> -> memref<32x128xf32, #tpu.memory_space<vmem_shared>>
      tpu.wait_dma2 semaphore(%run_scoped3A : memref<!tpu.dma_semaphore, #tpu.memory_space<semaphore_mem>>) src(%arg10 : memref<32x128xf32, #tpu.memory_space<vmem>>) dst(%dma_wait3A_131 : memref<32x128xf32, #tpu.memory_space<vmem_shared>>)
      tpu.yield
    }) : () -> ()
    %add3A_46 = arith.constant 352 : i32
    %add3A_47 = arith.addi %mul3A_23, %add3A_46 : i32
    "tpu.region"() ({
      %run_scoped3A = tpu.sem_alloc : memref<!tpu.dma_semaphore, #tpu.memory_space<semaphore_mem>>
      %dma_start3A_124 = arith.constant 0 : i32
      %dma_start3A_125 = tpu.memref_slice %arg8[%add3A_47, %dma_start3A_124] : memref<10240x128xf32, #tpu.memory_space<vmem_shared>> -> memref<32x128xf32, #tpu.memory_space<vmem_shared>>
      %dma_start3A_126 = arith.constant 0 : i32
      %dma_start3A_127 = tpu.memref_slice %arg8[%add3A_47, %dma_start3A_126] : memref<10240x128xf32, #tpu.memory_space<vmem_shared>> -> memref<32x128xf32, #tpu.memory_space<vmem_shared>>
      tpu.enqueue_dma source(%arg10 : memref<32x128xf32, #tpu.memory_space<vmem>>) target(%dma_start3A_127 : memref<32x128xf32, #tpu.memory_space<vmem_shared>>) target_semaphore(%run_scoped3A : memref<!tpu.dma_semaphore, #tpu.memory_space<semaphore_mem>>)
      %dma_wait3A_128 = arith.constant 0 : i32
      %dma_wait3A_129 = tpu.memref_slice %arg8[%add3A_47, %dma_wait3A_128] : memref<10240x128xf32, #tpu.memory_space<vmem_shared>> -> memref<32x128xf32, #tpu.memory_space<vmem_shared>>
      %dma_wait3A_130 = arith.constant 0 : i32
      %dma_wait3A_131 = tpu.memref_slice %arg8[%add3A_47, %dma_wait3A_130] : memref<10240x128xf32, #tpu.memory_space<vmem_shared>> -> memref<32x128xf32, #tpu.memory_space<vmem_shared>>
      tpu.wait_dma2 semaphore(%run_scoped3A : memref<!tpu.dma_semaphore, #tpu.memory_space<semaphore_mem>>) src(%arg10 : memref<32x128xf32, #tpu.memory_space<vmem>>) dst(%dma_wait3A_131 : memref<32x128xf32, #tpu.memory_space<vmem_shared>>)
      tpu.yield
    }) : () -> ()
    %add3A_48 = arith.constant 384 : i32
    %add3A_49 = arith.addi %mul3A_23, %add3A_48 : i32
    "tpu.region"() ({
      %run_scoped3A = tpu.sem_alloc : memref<!tpu.dma_semaphore, #tpu.memory_space<semaphore_mem>>
      %dma_start3A_124 = arith.constant 0 : i32
      %dma_start3A_125 = tpu.memref_slice %arg8[%add3A_49, %dma_start3A_124] : memref<10240x128xf32, #tpu.memory_space<vmem_shared>> -> memref<32x128xf32, #tpu.memory_space<vmem_shared>>
      %dma_start3A_126 = arith.constant 0 : i32
      %dma_start3A_127 = tpu.memref_slice %arg8[%add3A_49, %dma_start3A_126] : memref<10240x128xf32, #tpu.memory_space<vmem_shared>> -> memref<32x128xf32, #tpu.memory_space<vmem_shared>>
      tpu.enqueue_dma source(%arg10 : memref<32x128xf32, #tpu.memory_space<vmem>>) target(%dma_start3A_127 : memref<32x128xf32, #tpu.memory_space<vmem_shared>>) target_semaphore(%run_scoped3A : memref<!tpu.dma_semaphore, #tpu.memory_space<semaphore_mem>>)
      %dma_wait3A_128 = arith.constant 0 : i32
      %dma_wait3A_129 = tpu.memref_slice %arg8[%add3A_49, %dma_wait3A_128] : memref<10240x128xf32, #tpu.memory_space<vmem_shared>> -> memref<32x128xf32, #tpu.memory_space<vmem_shared>>
      %dma_wait3A_130 = arith.constant 0 : i32
      %dma_wait3A_131 = tpu.memref_slice %arg8[%add3A_49, %dma_wait3A_130] : memref<10240x128xf32, #tpu.memory_space<vmem_shared>> -> memref<32x128xf32, #tpu.memory_space<vmem_shared>>
      tpu.wait_dma2 semaphore(%run_scoped3A : memref<!tpu.dma_semaphore, #tpu.memory_space<semaphore_mem>>) src(%arg10 : memref<32x128xf32, #tpu.memory_space<vmem>>) dst(%dma_wait3A_131 : memref<32x128xf32, #tpu.memory_space<vmem_shared>>)
      tpu.yield
    }) : () -> ()
    %add3A_50 = arith.constant 416 : i32
    %add3A_51 = arith.addi %mul3A_23, %add3A_50 : i32
    "tpu.region"() ({
      %run_scoped3A = tpu.sem_alloc : memref<!tpu.dma_semaphore, #tpu.memory_space<semaphore_mem>>
      %dma_start3A_124 = arith.constant 0 : i32
      %dma_start3A_125 = tpu.memref_slice %arg8[%add3A_51, %dma_start3A_124] : memref<10240x128xf32, #tpu.memory_space<vmem_shared>> -> memref<32x128xf32, #tpu.memory_space<vmem_shared>>
      %dma_start3A_126 = arith.constant 0 : i32
      %dma_start3A_127 = tpu.memref_slice %arg8[%add3A_51, %dma_start3A_126] : memref<10240x128xf32, #tpu.memory_space<vmem_shared>> -> memref<32x128xf32, #tpu.memory_space<vmem_shared>>
      tpu.enqueue_dma source(%arg10 : memref<32x128xf32, #tpu.memory_space<vmem>>) target(%dma_start3A_127 : memref<32x128xf32, #tpu.memory_space<vmem_shared>>) target_semaphore(%run_scoped3A : memref<!tpu.dma_semaphore, #tpu.memory_space<semaphore_mem>>)
      %dma_wait3A_128 = arith.constant 0 : i32
      %dma_wait3A_129 = tpu.memref_slice %arg8[%add3A_51, %dma_wait3A_128] : memref<10240x128xf32, #tpu.memory_space<vmem_shared>> -> memref<32x128xf32, #tpu.memory_space<vmem_shared>>
      %dma_wait3A_130 = arith.constant 0 : i32
      %dma_wait3A_131 = tpu.memref_slice %arg8[%add3A_51, %dma_wait3A_130] : memref<10240x128xf32, #tpu.memory_space<vmem_shared>> -> memref<32x128xf32, #tpu.memory_space<vmem_shared>>
      tpu.wait_dma2 semaphore(%run_scoped3A : memref<!tpu.dma_semaphore, #tpu.memory_space<semaphore_mem>>) src(%arg10 : memref<32x128xf32, #tpu.memory_space<vmem>>) dst(%dma_wait3A_131 : memref<32x128xf32, #tpu.memory_space<vmem_shared>>)
      tpu.yield
    }) : () -> ()
    %add3A_52 = arith.constant 448 : i32
    %add3A_53 = arith.addi %mul3A_23, %add3A_52 : i32
    "tpu.region"() ({
      %run_scoped3A = tpu.sem_alloc : memref<!tpu.dma_semaphore, #tpu.memory_space<semaphore_mem>>
      %dma_start3A_124 = arith.constant 0 : i32
      %dma_start3A_125 = tpu.memref_slice %arg8[%add3A_53, %dma_start3A_124] : memref<10240x128xf32, #tpu.memory_space<vmem_shared>> -> memref<32x128xf32, #tpu.memory_space<vmem_shared>>
      %dma_start3A_126 = arith.constant 0 : i32
      %dma_start3A_127 = tpu.memref_slice %arg8[%add3A_53, %dma_start3A_126] : memref<10240x128xf32, #tpu.memory_space<vmem_shared>> -> memref<32x128xf32, #tpu.memory_space<vmem_shared>>
      tpu.enqueue_dma source(%arg10 : memref<32x128xf32, #tpu.memory_space<vmem>>) target(%dma_start3A_127 : memref<32x128xf32, #tpu.memory_space<vmem_shared>>) target_semaphore(%run_scoped3A : memref<!tpu.dma_semaphore, #tpu.memory_space<semaphore_mem>>)
      %dma_wait3A_128 = arith.constant 0 : i32
      %dma_wait3A_129 = tpu.memref_slice %arg8[%add3A_53, %dma_wait3A_128] : memref<10240x128xf32, #tpu.memory_space<vmem_shared>> -> memref<32x128xf32, #tpu.memory_space<vmem_shared>>
      %dma_wait3A_130 = arith.constant 0 : i32
      %dma_wait3A_131 = tpu.memref_slice %arg8[%add3A_53, %dma_wait3A_130] : memref<10240x128xf32, #tpu.memory_space<vmem_shared>> -> memref<32x128xf32, #tpu.memory_space<vmem_shared>>
      tpu.wait_dma2 semaphore(%run_scoped3A : memref<!tpu.dma_semaphore, #tpu.memory_space<semaphore_mem>>) src(%arg10 : memref<32x128xf32, #tpu.memory_space<vmem>>) dst(%dma_wait3A_131 : memref<32x128xf32, #tpu.memory_space<vmem_shared>>)
      tpu.yield
    }) : () -> ()
    %add3A_54 = arith.constant 480 : i32
    %add3A_55 = arith.addi %mul3A_23, %add3A_54 : i32
    "tpu.region"() ({
      %run_scoped3A = tpu.sem_alloc : memref<!tpu.dma_semaphore, #tpu.memory_space<semaphore_mem>>
      %dma_start3A_124 = arith.constant 0 : i32
      %dma_start3A_125 = tpu.memref_slice %arg8[%add3A_55, %dma_start3A_124] : memref<10240x128xf32, #tpu.memory_space<vmem_shared>> -> memref<32x128xf32, #tpu.memory_space<vmem_shared>>
      %dma_start3A_126 = arith.constant 0 : i32
      %dma_start3A_127 = tpu.memref_slice %arg8[%add3A_55, %dma_start3A_126] : memref<10240x128xf32, #tpu.memory_space<vmem_shared>> -> memref<32x128xf32, #tpu.memory_space<vmem_shared>>
      tpu.enqueue_dma source(%arg10 : memref<32x128xf32, #tpu.memory_space<vmem>>) target(%dma_start3A_127 : memref<32x128xf32, #tpu.memory_space<vmem_shared>>) target_semaphore(%run_scoped3A : memref<!tpu.dma_semaphore, #tpu.memory_space<semaphore_mem>>)
      %dma_wait3A_128 = arith.constant 0 : i32
      %dma_wait3A_129 = tpu.memref_slice %arg8[%add3A_55, %dma_wait3A_128] : memref<10240x128xf32, #tpu.memory_space<vmem_shared>> -> memref<32x128xf32, #tpu.memory_space<vmem_shared>>
      %dma_wait3A_130 = arith.constant 0 : i32
      %dma_wait3A_131 = tpu.memref_slice %arg8[%add3A_55, %dma_wait3A_130] : memref<10240x128xf32, #tpu.memory_space<vmem_shared>> -> memref<32x128xf32, #tpu.memory_space<vmem_shared>>
      tpu.wait_dma2 semaphore(%run_scoped3A : memref<!tpu.dma_semaphore, #tpu.memory_space<semaphore_mem>>) src(%arg10 : memref<32x128xf32, #tpu.memory_space<vmem>>) dst(%dma_wait3A_131 : memref<32x128xf32, #tpu.memory_space<vmem_shared>>)
      tpu.yield
    }) : () -> ()
    %add3A_56 = arith.constant 512 : i32
    %add3A_57 = arith.addi %mul3A_23, %add3A_56 : i32
    "tpu.region"() ({
      %run_scoped3A = tpu.sem_alloc : memref<!tpu.dma_semaphore, #tpu.memory_space<semaphore_mem>>
      %dma_start3A_124 = arith.constant 0 : i32
      %dma_start3A_125 = tpu.memref_slice %arg8[%add3A_57, %dma_start3A_124] : memref<10240x128xf32, #tpu.memory_space<vmem_shared>> -> memref<32x128xf32, #tpu.memory_space<vmem_shared>>
      %dma_start3A_126 = arith.constant 0 : i32
      %dma_start3A_127 = tpu.memref_slice %arg8[%add3A_57, %dma_start3A_126] : memref<10240x128xf32, #tpu.memory_space<vmem_shared>> -> memref<32x128xf32, #tpu.memory_space<vmem_shared>>
      tpu.enqueue_dma source(%arg10 : memref<32x128xf32, #tpu.memory_space<vmem>>) target(%dma_start3A_127 : memref<32x128xf32, #tpu.memory_space<vmem_shared>>) target_semaphore(%run_scoped3A : memref<!tpu.dma_semaphore, #tpu.memory_space<semaphore_mem>>)
      %dma_wait3A_128 = arith.constant 0 : i32
      %dma_wait3A_129 = tpu.memref_slice %arg8[%add3A_57, %dma_wait3A_128] : memref<10240x128xf32, #tpu.memory_space<vmem_shared>> -> memref<32x128xf32, #tpu.memory_space<vmem_shared>>
      %dma_wait3A_130 = arith.constant 0 : i32
      %dma_wait3A_131 = tpu.memref_slice %arg8[%add3A_57, %dma_wait3A_130] : memref<10240x128xf32, #tpu.memory_space<vmem_shared>> -> memref<32x128xf32, #tpu.memory_space<vmem_shared>>
      tpu.wait_dma2 semaphore(%run_scoped3A : memref<!tpu.dma_semaphore, #tpu.memory_space<semaphore_mem>>) src(%arg10 : memref<32x128xf32, #tpu.memory_space<vmem>>) dst(%dma_wait3A_131 : memref<32x128xf32, #tpu.memory_space<vmem_shared>>)
      tpu.yield
    }) : () -> ()
    %add3A_58 = arith.constant 544 : i32
    %add3A_59 = arith.addi %mul3A_23, %add3A_58 : i32
    "tpu.region"() ({
      %run_scoped3A = tpu.sem_alloc : memref<!tpu.dma_semaphore, #tpu.memory_space<semaphore_mem>>
      %dma_start3A_124 = arith.constant 0 : i32
      %dma_start3A_125 = tpu.memref_slice %arg8[%add3A_59, %dma_start3A_124] : memref<10240x128xf32, #tpu.memory_space<vmem_shared>> -> memref<32x128xf32, #tpu.memory_space<vmem_shared>>
      %dma_start3A_126 = arith.constant 0 : i32
      %dma_start3A_127 = tpu.memref_slice %arg8[%add3A_59, %dma_start3A_126] : memref<10240x128xf32, #tpu.memory_space<vmem_shared>> -> memref<32x128xf32, #tpu.memory_space<vmem_shared>>
      tpu.enqueue_dma source(%arg10 : memref<32x128xf32, #tpu.memory_space<vmem>>) target(%dma_start3A_127 : memref<32x128xf32, #tpu.memory_space<vmem_shared>>) target_semaphore(%run_scoped3A : memref<!tpu.dma_semaphore, #tpu.memory_space<semaphore_mem>>)
      %dma_wait3A_128 = arith.constant 0 : i32
      %dma_wait3A_129 = tpu.memref_slice %arg8[%add3A_59, %dma_wait3A_128] : memref<10240x128xf32, #tpu.memory_space<vmem_shared>> -> memref<32x128xf32, #tpu.memory_space<vmem_shared>>
      %dma_wait3A_130 = arith.constant 0 : i32
      %dma_wait3A_131 = tpu.memref_slice %arg8[%add3A_59, %dma_wait3A_130] : memref<10240x128xf32, #tpu.memory_space<vmem_shared>> -> memref<32x128xf32, #tpu.memory_space<vmem_shared>>
      tpu.wait_dma2 semaphore(%run_scoped3A : memref<!tpu.dma_semaphore, #tpu.memory_space<semaphore_mem>>) src(%arg10 : memref<32x128xf32, #tpu.memory_space<vmem>>) dst(%dma_wait3A_131 : memref<32x128xf32, #tpu.memory_space<vmem_shared>>)
      tpu.yield
    }) : () -> ()
    %add3A_60 = arith.constant 576 : i32
    %add3A_61 = arith.addi %mul3A_23, %add3A_60 : i32
    "tpu.region"() ({
      %run_scoped3A = tpu.sem_alloc : memref<!tpu.dma_semaphore, #tpu.memory_space<semaphore_mem>>
      %dma_start3A_124 = arith.constant 0 : i32
      %dma_start3A_125 = tpu.memref_slice %arg8[%add3A_61, %dma_start3A_124] : memref<10240x128xf32, #tpu.memory_space<vmem_shared>> -> memref<32x128xf32, #tpu.memory_space<vmem_shared>>
      %dma_start3A_126 = arith.constant 0 : i32
      %dma_start3A_127 = tpu.memref_slice %arg8[%add3A_61, %dma_start3A_126] : memref<10240x128xf32, #tpu.memory_space<vmem_shared>> -> memref<32x128xf32, #tpu.memory_space<vmem_shared>>
      tpu.enqueue_dma source(%arg10 : memref<32x128xf32, #tpu.memory_space<vmem>>) target(%dma_start3A_127 : memref<32x128xf32, #tpu.memory_space<vmem_shared>>) target_semaphore(%run_scoped3A : memref<!tpu.dma_semaphore, #tpu.memory_space<semaphore_mem>>)
      %dma_wait3A_128 = arith.constant 0 : i32
      %dma_wait3A_129 = tpu.memref_slice %arg8[%add3A_61, %dma_wait3A_128] : memref<10240x128xf32, #tpu.memory_space<vmem_shared>> -> memref<32x128xf32, #tpu.memory_space<vmem_shared>>
      %dma_wait3A_130 = arith.constant 0 : i32
      %dma_wait3A_131 = tpu.memref_slice %arg8[%add3A_61, %dma_wait3A_130] : memref<10240x128xf32, #tpu.memory_space<vmem_shared>> -> memref<32x128xf32, #tpu.memory_space<vmem_shared>>
      tpu.wait_dma2 semaphore(%run_scoped3A : memref<!tpu.dma_semaphore, #tpu.memory_space<semaphore_mem>>) src(%arg10 : memref<32x128xf32, #tpu.memory_space<vmem>>) dst(%dma_wait3A_131 : memref<32x128xf32, #tpu.memory_space<vmem_shared>>)
      tpu.yield
    }) : () -> ()
    %add3A_62 = arith.constant 608 : i32
    %add3A_63 = arith.addi %mul3A_23, %add3A_62 : i32
    "tpu.region"() ({
      %run_scoped3A = tpu.sem_alloc : memref<!tpu.dma_semaphore, #tpu.memory_space<semaphore_mem>>
      %dma_start3A_124 = arith.constant 0 : i32
      %dma_start3A_125 = tpu.memref_slice %arg8[%add3A_63, %dma_start3A_124] : memref<10240x128xf32, #tpu.memory_space<vmem_shared>> -> memref<32x128xf32, #tpu.memory_space<vmem_shared>>
      %dma_start3A_126 = arith.constant 0 : i32
      %dma_start3A_127 = tpu.memref_slice %arg8[%add3A_63, %dma_start3A_126] : memref<10240x128xf32, #tpu.memory_space<vmem_shared>> -> memref<32x128xf32, #tpu.memory_space<vmem_shared>>
      tpu.enqueue_dma source(%arg10 : memref<32x128xf32, #tpu.memory_space<vmem>>) target(%dma_start3A_127 : memref<32x128xf32, #tpu.memory_space<vmem_shared>>) target_semaphore(%run_scoped3A : memref<!tpu.dma_semaphore, #tpu.memory_space<semaphore_mem>>)
      %dma_wait3A_128 = arith.constant 0 : i32
      %dma_wait3A_129 = tpu.memref_slice %arg8[%add3A_63, %dma_wait3A_128] : memref<10240x128xf32, #tpu.memory_space<vmem_shared>> -> memref<32x128xf32, #tpu.memory_space<vmem_shared>>
      %dma_wait3A_130 = arith.constant 0 : i32
      %dma_wait3A_131 = tpu.memref_slice %arg8[%add3A_63, %dma_wait3A_130] : memref<10240x128xf32, #tpu.memory_space<vmem_shared>> -> memref<32x128xf32, #tpu.memory_space<vmem_shared>>
      tpu.wait_dma2 semaphore(%run_scoped3A : memref<!tpu.dma_semaphore, #tpu.memory_space<semaphore_mem>>) src(%arg10 : memref<32x128xf32, #tpu.memory_space<vmem>>) dst(%dma_wait3A_131 : memref<32x128xf32, #tpu.memory_space<vmem_shared>>)
      tpu.yield
    }) : () -> ()
    %scan3A = arith.constant 0 : i32
    %scan3A_64 = arith.constant 640 : i32
    %scan3A_65 = arith.addi %scan3A, %scan3A_64 : i32
    %scan3A_66 = arith.constant 1 : i32
    scf.for %scan3A_124 = %scan3A to %scan3A_65 step %scan3A_66  : i32 {
      %mul3A_125 = arith.constant 1 : i32
      %mul3A_126 = arith.muli %scan3A_124, %mul3A_125 : i32
      %add3A_127 = arith.constant 0 : i32
      %add3A_128 = arith.addi %add3A_127, %mul3A_126 : i32
      %broadcast_in_dim3A_129 = arith.constant 0.000000e+00 : f32
      %broadcast_in_dim3A_130 = vector.broadcast %broadcast_in_dim3A_129 : f32 to vector<16xf32>
      %mul3A_131 = arith.constant 16 : i32
      %mul3A_132 = arith.muli %add3A_128, %mul3A_131 : i32
      %swap3A = arith.index_cast %mul3A_132 : i32 to index
      %swap3A_133 = tpu.vector_load %arg9[%swap3A] {strides = array<i32>} : memref<10240xf32, #tpu.memory_space<vmem>>, vector<16xf32>,
      tpu.vector_store %arg9[%swap3A], %broadcast_in_dim3A_130 {strides = array<i32>} : memref<10240xf32, #tpu.memory_space<vmem>>, vector<16xf32>,
    }
    %scan3A_67 = arith.constant 640 : i32
    %barrier3A = arith.constant 0 : index
    tpu.barrier barrier_id(%barrier3A)
    %dma_wait3A = arith.constant 0 : i32
    %dma_wait3A_68 = arith.constant 0 : i32
    %dma_wait3A_69 = tpu.memref_slice %arg4[%dma_wait3A, %dma_wait3A_68] : memref<10000x128xf32, #tpu.memory_space<hbm>> -> memref<10000x128xf32, #tpu.memory_space<hbm>>
    tpu.wait_indirect_dma semaphore(%arg20 : memref<!tpu.dma_semaphore, #tpu.memory_space<semaphore_mem>>) src(%dma_wait3A_69 : memref<10000x128xf32, #tpu.memory_space<hbm>>) dst(%arg17 : memref<80x128xf32, #tpu.memory_space<vmem>>)
    %dma_start3A_70 = arith.constant 0 : i32
    %dma_start3A_71 = arith.constant 0 : i32
    %dma_start3A_72 = tpu.memref_slice %arg8[%dma_start3A_70, %dma_start3A_71] : memref<10240x128xf32, #tpu.memory_space<vmem_shared>> -> memref<10240x128xf32, #tpu.memory_space<vmem_shared>>
    tpu.enqueue_indirect_dma source(%arg17 : memref<80x128xf32, #tpu.memory_space<vmem>>) target(%dma_start3A_72 : memref<10240x128xf32, #tpu.memory_space<vmem_shared>>) offsets(%arg14 : memref<80xi32, #tpu.memory_space<vmem>>) semaphore(%arg23 : memref<!tpu.dma_semaphore, #tpu.memory_space<semaphore_mem>>) {add = true}
    %get3A = arith.constant 0 : index
    %get3A_73 = tpu.vector_load %arg14[%get3A] {strides = array<i32>} : memref<80xi32, #tpu.memory_space<vmem>>, vector<16xi32>,
    tpu.vector_store_idx %arg9[%get3A_73], %broadcast_in_dim3A_3 {add = true} : memref<10240xf32, #tpu.memory_space<vmem>>[vector<16xi32>], vector<16xf32>,
    %get3A_74 = arith.constant 16 : index
    %get3A_75 = tpu.vector_load %arg14[%get3A_74] {strides = array<i32>} : memref<80xi32, #tpu.memory_space<vmem>>, vector<16xi32>,
    tpu.vector_store_idx %arg9[%get3A_75], %broadcast_in_dim3A_3 {add = true} : memref<10240xf32, #tpu.memory_space<vmem>>[vector<16xi32>], vector<16xf32>,
    %get3A_76 = arith.constant 32 : index
    %get3A_77 = tpu.vector_load %arg14[%get3A_76] {strides = array<i32>} : memref<80xi32, #tpu.memory_space<vmem>>, vector<16xi32>,
    tpu.vector_store_idx %arg9[%get3A_77], %broadcast_in_dim3A_3 {add = true} : memref<10240xf32, #tpu.memory_space<vmem>>[vector<16xi32>], vector<16xf32>,
    %get3A_78 = arith.constant 48 : index
    %get3A_79 = tpu.vector_load %arg14[%get3A_78] {strides = array<i32>} : memref<80xi32, #tpu.memory_space<vmem>>, vector<16xi32>,
    tpu.vector_store_idx %arg9[%get3A_79], %broadcast_in_dim3A_3 {add = true} : memref<10240xf32, #tpu.memory_space<vmem>>[vector<16xi32>], vector<16xf32>,
    %get3A_80 = arith.constant 64 : index
    %get3A_81 = tpu.vector_load %arg14[%get3A_80] {strides = array<i32>} : memref<80xi32, #tpu.memory_space<vmem>>, vector<16xi32>,
    tpu.vector_store_idx %arg9[%get3A_81], %broadcast_in_dim3A_3 {add = true} : memref<10240xf32, #tpu.memory_space<vmem>>[vector<16xi32>], vector<16xf32>,
    %dma_wait3A_82 = arith.constant 0 : i32
    %dma_wait3A_83 = tpu.memref_slice %arg2[%dma_wait3A_82] : memref<320000xi32, #tpu.memory_space<hbm>> -> memref<80xi32, #tpu.memory_space<hbm>>
    %dma_wait3A_84 = arith.constant 0 : i32
    %dma_wait3A_85 = tpu.memref_slice %arg2[%dma_wait3A_84] : memref<320000xi32, #tpu.memory_space<hbm>> -> memref<80xi32, #tpu.memory_space<hbm>>
    tpu.wait_dma2 semaphore(%arg28 : memref<!tpu.dma_semaphore, #tpu.memory_space<semaphore_mem>>) src(%dma_wait3A_85 : memref<80xi32, #tpu.memory_space<hbm>>) dst(%arg13 : memref<80xi32, #tpu.memory_space<vmem>>)
    %dma_start3A_86 = arith.constant 0 : i32
    %dma_start3A_87 = arith.constant 0 : i32
    %dma_start3A_88 = tpu.memref_slice %arg4[%dma_start3A_86, %dma_start3A_87] : memref<10000x128xf32, #tpu.memory_space<hbm>> -> memref<10000x128xf32, #tpu.memory_space<hbm>>
    tpu.enqueue_indirect_dma source(%dma_start3A_88 : memref<10000x128xf32, #tpu.memory_space<hbm>>) target(%arg19 : memref<80x128xf32, #tpu.memory_space<vmem>>) offsets(%arg13 : memref<80xi32, #tpu.memory_space<vmem>>) semaphore(%arg22 : memref<!tpu.dma_semaphore, #tpu.memory_space<semaphore_mem>>)
    %add3A_89 = arith.constant 160 : i32
    %add3A_90 = arith.addi %mul3A_2, %add3A_89 : i32
    %min3A_91 = arith.constant 319920 : i32
    %min3A_92 = arith.minsi %add3A_90, %min3A_91 : i32
    "tpu.region"() ({
      %run_scoped3A = tpu.sem_alloc : memref<!tpu.dma_semaphore, #tpu.memory_space<semaphore_mem>>
      %dma_start3A_124 = tpu.memref_slice %arg3[%min3A_92] : memref<320000xi32, #tpu.memory_space<hbm>> -> memref<80xi32, #tpu.memory_space<hbm>>
      %dma_start3A_125 = tpu.memref_slice %arg3[%min3A_92] : memref<320000xi32, #tpu.memory_space<hbm>> -> memref<80xi32, #tpu.memory_space<hbm>>
      tpu.enqueue_dma source(%dma_start3A_125 : memref<80xi32, #tpu.memory_space<hbm>>) target(%arg16 : memref<80xi32, #tpu.memory_space<vmem>>) target_semaphore(%run_scoped3A : memref<!tpu.dma_semaphore, #tpu.memory_space<semaphore_mem>>)
      %dma_wait3A_126 = tpu.memref_slice %arg3[%min3A_92] : memref<320000xi32, #tpu.memory_space<hbm>> -> memref<80xi32, #tpu.memory_space<hbm>>
      %dma_wait3A_127 = tpu.memref_slice %arg3[%min3A_92] : memref<320000xi32, #tpu.memory_space<hbm>> -> memref<80xi32, #tpu.memory_space<hbm>>
      tpu.wait_dma2 semaphore(%run_scoped3A : memref<!tpu.dma_semaphore, #tpu.memory_space<semaphore_mem>>) src(%dma_wait3A_127 : memref<80xi32, #tpu.memory_space<hbm>>) dst(%arg16 : memref<80xi32, #tpu.memory_space<vmem>>)
      tpu.yield
    }) : () -> ()
    %scan3A_93 = arith.constant 0 : i32
    %scan3A_94 = arith.constant 41 : i32
    %scan3A_95 = arith.addi %scan3A_93, %scan3A_94 : i32
    %scan3A_96 = arith.constant 1 : i32
    scf.for %scan3A_124 = %scan3A_93 to %scan3A_95 step %scan3A_96  : i32 {
      %mul3A_125 = arith.constant 1 : i32
      %mul3A_126 = arith.muli %scan3A_124, %mul3A_125 : i32
      %add3A_127 = arith.constant 0 : i32
      %add3A_128 = arith.addi %add3A_127, %mul3A_126 : i32
      %mul3A_129 = arith.constant 3 : i32
      %mul3A_130 = arith.muli %add3A_128, %mul3A_129 : i32
      %add3A_131 = arith.constant 1 : i32
      %add3A_132 = arith.addi %add3A_131, %mul3A_130 : i32
      %add3A_133 = arith.constant 0 : i32
      %add3A_134 = arith.addi %add3A_132, %add3A_133 : i32
      %dma_wait3A_135 = arith.constant 0 : i32
      %dma_wait3A_136 = arith.constant 0 : i32
      %dma_wait3A_137 = tpu.memref_slice %arg4[%dma_wait3A_135, %dma_wait3A_136] : memref<10000x128xf32, #tpu.memory_space<hbm>> -> memref<10000x128xf32, #tpu.memory_space<hbm>>
      tpu.wait_indirect_dma semaphore(%arg21 : memref<!tpu.dma_semaphore, #tpu.memory_space<semaphore_mem>>) src(%dma_wait3A_137 : memref<10000x128xf32, #tpu.memory_space<hbm>>) dst(%arg18 : memref<80x128xf32, #tpu.memory_space<vmem>>)
      %add3A_138 = arith.constant 2 : i32
      %add3A_139 = arith.addi %add3A_134, %add3A_138 : i32
      %mul3A_140 = arith.constant 80 : i32
      %mul3A_141 = arith.muli %add3A_139, %mul3A_140 : i32
      %add3A_142 = arith.addi %mul3A_2, %mul3A_141 : i32
      %min3A_143 = arith.constant 319920 : i32
      %min3A_144 = arith.minsi %add3A_142, %min3A_143 : i32
      %dma_start3A_145 = tpu.memref_slice %arg2[%min3A_144] : memref<320000xi32, #tpu.memory_space<hbm>> -> memref<80xi32, #tpu.memory_space<hbm>>
      %dma_start3A_146 = tpu.memref_slice %arg2[%min3A_144] : memref<320000xi32, #tpu.memory_space<hbm>> -> memref<80xi32, #tpu.memory_space<hbm>>
      tpu.enqueue_dma source(%dma_start3A_146 : memref<80xi32, #tpu.memory_space<hbm>>) target(%arg11 : memref<80xi32, #tpu.memory_space<vmem>>) target_semaphore(%arg26 : memref<!tpu.dma_semaphore, #tpu.memory_space<semaphore_mem>>)
      %dma_start3A_147 = arith.constant 0 : i32
      %dma_start3A_148 = arith.constant 0 : i32
      %dma_start3A_149 = tpu.memref_slice %arg8[%dma_start3A_147, %dma_start3A_148] : memref<10240x128xf32, #tpu.memory_space<vmem_shared>> -> memref<10240x128xf32, #tpu.memory_space<vmem_shared>>
      tpu.enqueue_indirect_dma source(%arg18 : memref<80x128xf32, #tpu.memory_space<vmem>>) target(%dma_start3A_149 : memref<10240x128xf32, #tpu.memory_space<vmem_shared>>) offsets(%arg15 : memref<80xi32, #tpu.memory_space<vmem>>) semaphore(%arg24 : memref<!tpu.dma_semaphore, #tpu.memory_space<semaphore_mem>>) {add = true}
      %dma_wait3A_150 = arith.constant 0 : i32
      %dma_wait3A_151 = arith.constant 0 : i32
      %dma_wait3A_152 = tpu.memref_slice %arg8[%dma_wait3A_150, %dma_wait3A_151] : memref<10240x128xf32, #tpu.memory_space<vmem_shared>> -> memref<10240x128xf32, #tpu.memory_space<vmem_shared>>
      tpu.wait_indirect_dma semaphore(%arg23 : memref<!tpu.dma_semaphore, #tpu.memory_space<semaphore_mem>>) src(%arg17 : memref<80x128xf32, #tpu.memory_space<vmem>>) dst(%dma_wait3A_152 : memref<10240x128xf32, #tpu.memory_space<vmem_shared>>)
      %dma_wait3A_153 = arith.constant 0 : i32
      %dma_wait3A_154 = tpu.memref_slice %arg2[%dma_wait3A_153] : memref<320000xi32, #tpu.memory_space<hbm>> -> memref<80xi32, #tpu.memory_space<hbm>>
      %dma_wait3A_155 = arith.constant 0 : i32
      %dma_wait3A_156 = tpu.memref_slice %arg2[%dma_wait3A_155] : memref<320000xi32, #tpu.memory_space<hbm>> -> memref<80xi32, #tpu.memory_space<hbm>>
      tpu.wait_dma2 semaphore(%arg26 : memref<!tpu.dma_semaphore, #tpu.memory_space<semaphore_mem>>) src(%dma_wait3A_156 : memref<80xi32, #tpu.memory_space<hbm>>) dst(%arg11 : memref<80xi32, #tpu.memory_space<vmem>>)
      %lt3A = arith.constant 123 : i32
      %lt3A_157 = arith.cmpi slt, %add3A_134, %lt3A : i32
      %convert_element_type3A = arith.extui %lt3A_157 : i1 to i32
      %cond3A = arith.constant 0 : i32
      %cond3A_158 = arith.cmpi ne, %convert_element_type3A, %cond3A : i32
      scf.if %cond3A_158 {
        %dma_start3A_276 = arith.constant 0 : i32
        %dma_start3A_277 = arith.constant 0 : i32
        %dma_start3A_278 = tpu.memref_slice %arg4[%dma_start3A_276, %dma_start3A_277] : memref<10000x128xf32, #tpu.memory_space<hbm>> -> memref<10000x128xf32, #tpu.memory_space<hbm>>
        tpu.enqueue_indirect_dma source(%dma_start3A_278 : memref<10000x128xf32, #tpu.memory_space<hbm>>) target(%arg17 : memref<80x128xf32, #tpu.memory_space<vmem>>) offsets(%arg11 : memref<80xi32, #tpu.memory_space<vmem>>) semaphore(%arg20 : memref<!tpu.dma_semaphore, #tpu.memory_space<semaphore_mem>>)
      } else {
      }
      %get3A_159 = arith.constant 0 : index
      %get3A_160 = tpu.vector_load %arg15[%get3A_159] {strides = array<i32>} : memref<80xi32, #tpu.memory_space<vmem>>, vector<16xi32>,
      tpu.vector_store_idx %arg9[%get3A_160], %broadcast_in_dim3A_3 {add = true} : memref<10240xf32, #tpu.memory_space<vmem>>[vector<16xi32>], vector<16xf32>,
      %get3A_161 = arith.constant 16 : index
      %get3A_162 = tpu.vector_load %arg15[%get3A_161] {strides = array<i32>} : memref<80xi32, #tpu.memory_space<vmem>>, vector<16xi32>,
      tpu.vector_store_idx %arg9[%get3A_162], %broadcast_in_dim3A_3 {add = true} : memref<10240xf32, #tpu.memory_space<vmem>>[vector<16xi32>], vector<16xf32>,
      %get3A_163 = arith.constant 32 : index
      %get3A_164 = tpu.vector_load %arg15[%get3A_163] {strides = array<i32>} : memref<80xi32, #tpu.memory_space<vmem>>, vector<16xi32>,
      tpu.vector_store_idx %arg9[%get3A_164], %broadcast_in_dim3A_3 {add = true} : memref<10240xf32, #tpu.memory_space<vmem>>[vector<16xi32>], vector<16xf32>,
      %get3A_165 = arith.constant 48 : index
      %get3A_166 = tpu.vector_load %arg15[%get3A_165] {strides = array<i32>} : memref<80xi32, #tpu.memory_space<vmem>>, vector<16xi32>,
      tpu.vector_store_idx %arg9[%get3A_166], %broadcast_in_dim3A_3 {add = true} : memref<10240xf32, #tpu.memory_space<vmem>>[vector<16xi32>], vector<16xf32>,
      %get3A_167 = arith.constant 64 : index
      %get3A_168 = tpu.vector_load %arg15[%get3A_167] {strides = array<i32>} : memref<80xi32, #tpu.memory_space<vmem>>, vector<16xi32>,
      tpu.vector_store_idx %arg9[%get3A_168], %broadcast_in_dim3A_3 {add = true} : memref<10240xf32, #tpu.memory_space<vmem>>[vector<16xi32>], vector<16xf32>,
      %add3A_169 = arith.constant 2 : i32
      %add3A_170 = arith.addi %add3A_134, %add3A_169 : i32
      %mul3A_171 = arith.constant 80 : i32
      %mul3A_172 = arith.muli %add3A_170, %mul3A_171 : i32
      %add3A_173 = arith.addi %mul3A_2, %mul3A_172 : i32
      %min3A_174 = arith.constant 319920 : i32
      %min3A_175 = arith.minsi %add3A_173, %min3A_174 : i32
      "tpu.region"() ({
        %run_scoped3A = tpu.sem_alloc : memref<!tpu.dma_semaphore, #tpu.memory_space<semaphore_mem>>
        %dma_start3A_276 = tpu.memref_slice %arg3[%min3A_175] : memref<320000xi32, #tpu.memory_space<hbm>> -> memref<80xi32, #tpu.memory_space<hbm>>
        %dma_start3A_277 = tpu.memref_slice %arg3[%min3A_175] : memref<320000xi32, #tpu.memory_space<hbm>> -> memref<80xi32, #tpu.memory_space<hbm>>
        tpu.enqueue_dma source(%dma_start3A_277 : memref<80xi32, #tpu.memory_space<hbm>>) target(%arg14 : memref<80xi32, #tpu.memory_space<vmem>>) target_semaphore(%run_scoped3A : memref<!tpu.dma_semaphore, #tpu.memory_space<semaphore_mem>>)
        %dma_wait3A_278 = tpu.memref_slice %arg3[%min3A_175] : memref<320000xi32, #tpu.memory_space<hbm>> -> memref<80xi32, #tpu.memory_space<hbm>>
        %dma_wait3A_279 = tpu.memref_slice %arg3[%min3A_175] : memref<320000xi32, #tpu.memory_space<hbm>> -> memref<80xi32, #tpu.memory_space<hbm>>
        tpu.wait_dma2 semaphore(%run_scoped3A : memref<!tpu.dma_semaphore, #tpu.memory_space<semaphore_mem>>) src(%dma_wait3A_279 : memref<80xi32, #tpu.memory_space<hbm>>) dst(%arg14 : memref<80xi32, #tpu.memory_space<vmem>>)
        tpu.yield
      }) : () -> ()
      %mul3A_176 = arith.constant 3 : i32
      %mul3A_177 = arith.muli %add3A_128, %mul3A_176 : i32
      %add3A_178 = arith.constant 1 : i32
      %add3A_179 = arith.addi %add3A_178, %mul3A_177 : i32
      %add3A_180 = arith.constant 1 : i32
      %add3A_181 = arith.addi %add3A_179, %add3A_180 : i32
      %dma_wait3A_182 = arith.constant 0 : i32
      %dma_wait3A_183 = arith.constant 0 : i32
      %dma_wait3A_184 = tpu.memref_slice %arg4[%dma_wait3A_182, %dma_wait3A_183] : memref<10000x128xf32, #tpu.memory_space<hbm>> -> memref<10000x128xf32, #tpu.memory_space<hbm>>
      tpu.wait_indirect_dma semaphore(%arg22 : memref<!tpu.dma_semaphore, #tpu.memory_space<semaphore_mem>>) src(%dma_wait3A_184 : memref<10000x128xf32, #tpu.memory_space<hbm>>) dst(%arg19 : memref<80x128xf32, #tpu.memory_space<vmem>>)
      %add3A_185 = arith.constant 2 : i32
      %add3A_186 = arith.addi %add3A_181, %add3A_185 : i32
      %mul3A_187 = arith.constant 80 : i32
      %mul3A_188 = arith.muli %add3A_186, %mul3A_187 : i32
      %add3A_189 = arith.addi %mul3A_2, %mul3A_188 : i32
      %min3A_190 = arith.constant 319920 : i32
      %min3A_191 = arith.minsi %add3A_189, %min3A_190 : i32
      %dma_start3A_192 = tpu.memref_slice %arg2[%min3A_191] : memref<320000xi32, #tpu.memory_space<hbm>> -> memref<80xi32, #tpu.memory_space<hbm>>
      %dma_start3A_193 = tpu.memref_slice %arg2[%min3A_191] : memref<320000xi32, #tpu.memory_space<hbm>> -> memref<80xi32, #tpu.memory_space<hbm>>
      tpu.enqueue_dma source(%dma_start3A_193 : memref<80xi32, #tpu.memory_space<hbm>>) target(%arg12 : memref<80xi32, #tpu.memory_space<vmem>>) target_semaphore(%arg27 : memref<!tpu.dma_semaphore, #tpu.memory_space<semaphore_mem>>)
      %dma_start3A_194 = arith.constant 0 : i32
      %dma_start3A_195 = arith.constant 0 : i32
      %dma_start3A_196 = tpu.memref_slice %arg8[%dma_start3A_194, %dma_start3A_195] : memref<10240x128xf32, #tpu.memory_space<vmem_shared>> -> memref<10240x128xf32, #tpu.memory_space<vmem_shared>>
      tpu.enqueue_indirect_dma source(%arg19 : memref<80x128xf32, #tpu.memory_space<vmem>>) target(%dma_start3A_196 : memref<10240x128xf32, #tpu.memory_space<vmem_shared>>) offsets(%arg16 : memref<80xi32, #tpu.memory_space<vmem>>) semaphore(%arg25 : memref<!tpu.dma_semaphore, #tpu.memory_space<semaphore_mem>>) {add = true}
      %dma_wait3A_197 = arith.constant 0 : i32
      %dma_wait3A_198 = arith.constant 0 : i32
      %dma_wait3A_199 = tpu.memref_slice %arg8[%dma_wait3A_197, %dma_wait3A_198] : memref<10240x128xf32, #tpu.memory_space<vmem_shared>> -> memref<10240x128xf32, #tpu.memory_space<vmem_shared>>
      tpu.wait_indirect_dma semaphore(%arg24 : memref<!tpu.dma_semaphore, #tpu.memory_space<semaphore_mem>>) src(%arg18 : memref<80x128xf32, #tpu.memory_space<vmem>>) dst(%dma_wait3A_199 : memref<10240x128xf32, #tpu.memory_space<vmem_shared>>)
      %dma_wait3A_200 = arith.constant 0 : i32
      %dma_wait3A_201 = tpu.memref_slice %arg2[%dma_wait3A_200] : memref<320000xi32, #tpu.memory_space<hbm>> -> memref<80xi32, #tpu.memory_space<hbm>>
      %dma_wait3A_202 = arith.constant 0 : i32
      %dma_wait3A_203 = tpu.memref_slice %arg2[%dma_wait3A_202] : memref<320000xi32, #tpu.memory_space<hbm>> -> memref<80xi32, #tpu.memory_space<hbm>>
      tpu.wait_dma2 semaphore(%arg27 : memref<!tpu.dma_semaphore, #tpu.memory_space<semaphore_mem>>) src(%dma_wait3A_203 : memref<80xi32, #tpu.memory_space<hbm>>) dst(%arg12 : memref<80xi32, #tpu.memory_space<vmem>>)
      %lt3A_204 = arith.constant 123 : i32
      %lt3A_205 = arith.cmpi slt, %add3A_181, %lt3A_204 : i32
      %convert_element_type3A_206 = arith.extui %lt3A_205 : i1 to i32
      %cond3A_207 = arith.constant 0 : i32
      %cond3A_208 = arith.cmpi ne, %convert_element_type3A_206, %cond3A_207 : i32
      scf.if %cond3A_208 {
        %dma_start3A_276 = arith.constant 0 : i32
        %dma_start3A_277 = arith.constant 0 : i32
        %dma_start3A_278 = tpu.memref_slice %arg4[%dma_start3A_276, %dma_start3A_277] : memref<10000x128xf32, #tpu.memory_space<hbm>> -> memref<10000x128xf32, #tpu.memory_space<hbm>>
        tpu.enqueue_indirect_dma source(%dma_start3A_278 : memref<10000x128xf32, #tpu.memory_space<hbm>>) target(%arg18 : memref<80x128xf32, #tpu.memory_space<vmem>>) offsets(%arg12 : memref<80xi32, #tpu.memory_space<vmem>>) semaphore(%arg21 : memref<!tpu.dma_semaphore, #tpu.memory_space<semaphore_mem>>)
      } else {
      }
      %get3A_209 = arith.constant 0 : index
      %get3A_210 = tpu.vector_load %arg16[%get3A_209] {strides = array<i32>} : memref<80xi32, #tpu.memory_space<vmem>>, vector<16xi32>,
      tpu.vector_store_idx %arg9[%get3A_210], %broadcast_in_dim3A_3 {add = true} : memref<10240xf32, #tpu.memory_space<vmem>>[vector<16xi32>], vector<16xf32>,
      %get3A_211 = arith.constant 16 : index
      %get3A_212 = tpu.vector_load %arg16[%get3A_211] {strides = array<i32>} : memref<80xi32, #tpu.memory_space<vmem>>, vector<16xi32>,
      tpu.vector_store_idx %arg9[%get3A_212], %broadcast_in_dim3A_3 {add = true} : memref<10240xf32, #tpu.memory_space<vmem>>[vector<16xi32>], vector<16xf32>,
      %get3A_213 = arith.constant 32 : index
      %get3A_214 = tpu.vector_load %arg16[%get3A_213] {strides = array<i32>} : memref<80xi32, #tpu.memory_space<vmem>>, vector<16xi32>,
      tpu.vector_store_idx %arg9[%get3A_214], %broadcast_in_dim3A_3 {add = true} : memref<10240xf32, #tpu.memory_space<vmem>>[vector<16xi32>], vector<16xf32>,
      %get3A_215 = arith.constant 48 : index
      %get3A_216 = tpu.vector_load %arg16[%get3A_215] {strides = array<i32>} : memref<80xi32, #tpu.memory_space<vmem>>, vector<16xi32>,
      tpu.vector_store_idx %arg9[%get3A_216], %broadcast_in_dim3A_3 {add = true} : memref<10240xf32, #tpu.memory_space<vmem>>[vector<16xi32>], vector<16xf32>,
      %get3A_217 = arith.constant 64 : index
      %get3A_218 = tpu.vector_load %arg16[%get3A_217] {strides = array<i32>} : memref<80xi32, #tpu.memory_space<vmem>>, vector<16xi32>,
      tpu.vector_store_idx %arg9[%get3A_218], %broadcast_in_dim3A_3 {add = true} : memref<10240xf32, #tpu.memory_space<vmem>>[vector<16xi32>], vector<16xf32>,
      %add3A_219 = arith.constant 2 : i32
      %add3A_220 = arith.addi %add3A_181, %add3A_219 : i32
      %mul3A_221 = arith.constant 80 : i32
      %mul3A_222 = arith.muli %add3A_220, %mul3A_221 : i32
      %add3A_223 = arith.addi %mul3A_2, %mul3A_222 : i32
      %min3A_224 = arith.constant 319920 : i32
      %min3A_225 = arith.minsi %add3A_223, %min3A_224 : i32
      "tpu.region"() ({
        %run_scoped3A = tpu.sem_alloc : memref<!tpu.dma_semaphore, #tpu.memory_space<semaphore_mem>>
        %dma_start3A_276 = tpu.memref_slice %arg3[%min3A_225] : memref<320000xi32, #tpu.memory_space<hbm>> -> memref<80xi32, #tpu.memory_space<hbm>>
        %dma_start3A_277 = tpu.memref_slice %arg3[%min3A_225] : memref<320000xi32, #tpu.memory_space<hbm>> -> memref<80xi32, #tpu.memory_space<hbm>>
        tpu.enqueue_dma source(%dma_start3A_277 : memref<80xi32, #tpu.memory_space<hbm>>) target(%arg15 : memref<80xi32, #tpu.memory_space<vmem>>) target_semaphore(%run_scoped3A : memref<!tpu.dma_semaphore, #tpu.memory_space<semaphore_mem>>)
        %dma_wait3A_278 = tpu.memref_slice %arg3[%min3A_225] : memref<320000xi32, #tpu.memory_space<hbm>> -> memref<80xi32, #tpu.memory_space<hbm>>
        %dma_wait3A_279 = tpu.memref_slice %arg3[%min3A_225] : memref<320000xi32, #tpu.memory_space<hbm>> -> memref<80xi32, #tpu.memory_space<hbm>>
        tpu.wait_dma2 semaphore(%run_scoped3A : memref<!tpu.dma_semaphore, #tpu.memory_space<semaphore_mem>>) src(%dma_wait3A_279 : memref<80xi32, #tpu.memory_space<hbm>>) dst(%arg15 : memref<80xi32, #tpu.memory_space<vmem>>)
        tpu.yield
      }) : () -> ()
      %mul3A_226 = arith.constant 3 : i32
      %mul3A_227 = arith.muli %add3A_128, %mul3A_226 : i32
      %add3A_228 = arith.constant 1 : i32
      %add3A_229 = arith.addi %add3A_228, %mul3A_227 : i32
      %add3A_230 = arith.constant 2 : i32
      %add3A_231 = arith.addi %add3A_229, %add3A_230 : i32
      %dma_wait3A_232 = arith.constant 0 : i32
      %dma_wait3A_233 = arith.constant 0 : i32
      %dma_wait3A_234 = tpu.memref_slice %arg4[%dma_wait3A_232, %dma_wait3A_233] : memref<10000x128xf32, #tpu.memory_space<hbm>> -> memref<10000x128xf32, #tpu.memory_space<hbm>>
      tpu.wait_indirect_dma semaphore(%arg20 : memref<!tpu.dma_semaphore, #tpu.memory_space<semaphore_mem>>) src(%dma_wait3A_234 : memref<10000x128xf32, #tpu.memory_space<hbm>>) dst(%arg17 : memref<80x128xf32, #tpu.memory_space<vmem>>)
      %add3A_235 = arith.constant 2 : i32
      %add3A_236 = arith.addi %add3A_231, %add3A_235 : i32
      %mul3A_237 = arith.constant 80 : i32
      %mul3A_238 = arith.muli %add3A_236, %mul3A_237 : i32
      %add3A_239 = arith.addi %mul3A_2, %mul3A_238 : i32
      %min3A_240 = arith.constant 319920 : i32
      %min3A_241 = arith.minsi %add3A_239, %min3A_240 : i32
      %dma_start3A_242 = tpu.memref_slice %arg2[%min3A_241] : memref<320000xi32, #tpu.memory_space<hbm>> -> memref<80xi32, #tpu.memory_space<hbm>>
      %dma_start3A_243 = tpu.memref_slice %arg2[%min3A_241] : memref<320000xi32, #tpu.memory_space<hbm>> -> memref<80xi32, #tpu.memory_space<hbm>>
      tpu.enqueue_dma source(%dma_start3A_243 : memref<80xi32, #tpu.memory_space<hbm>>) target(%arg13 : memref<80xi32, #tpu.memory_space<vmem>>) target_semaphore(%arg28 : memref<!tpu.dma_semaphore, #tpu.memory_space<semaphore_mem>>)
      %dma_start3A_244 = arith.constant 0 : i32
      %dma_start3A_245 = arith.constant 0 : i32
      %dma_start3A_246 = tpu.memref_slice %arg8[%dma_start3A_244, %dma_start3A_245] : memref<10240x128xf32, #tpu.memory_space<vmem_shared>> -> memref<10240x128xf32, #tpu.memory_space<vmem_shared>>
      tpu.enqueue_indirect_dma source(%arg17 : memref<80x128xf32, #tpu.memory_space<vmem>>) target(%dma_start3A_246 : memref<10240x128xf32, #tpu.memory_space<vmem_shared>>) offsets(%arg14 : memref<80xi32, #tpu.memory_space<vmem>>) semaphore(%arg23 : memref<!tpu.dma_semaphore, #tpu.memory_space<semaphore_mem>>) {add = true}
      %dma_wait3A_247 = arith.constant 0 : i32
      %dma_wait3A_248 = arith.constant 0 : i32
      %dma_wait3A_249 = tpu.memref_slice %arg8[%dma_wait3A_247, %dma_wait3A_248] : memref<10240x128xf32, #tpu.memory_space<vmem_shared>> -> memref<10240x128xf32, #tpu.memory_space<vmem_shared>>
      tpu.wait_indirect_dma semaphore(%arg25 : memref<!tpu.dma_semaphore, #tpu.memory_space<semaphore_mem>>) src(%arg19 : memref<80x128xf32, #tpu.memory_space<vmem>>) dst(%dma_wait3A_249 : memref<10240x128xf32, #tpu.memory_space<vmem_shared>>)
      %dma_wait3A_250 = arith.constant 0 : i32
      %dma_wait3A_251 = tpu.memref_slice %arg2[%dma_wait3A_250] : memref<320000xi32, #tpu.memory_space<hbm>> -> memref<80xi32, #tpu.memory_space<hbm>>
      %dma_wait3A_252 = arith.constant 0 : i32
      %dma_wait3A_253 = tpu.memref_slice %arg2[%dma_wait3A_252] : memref<320000xi32, #tpu.memory_space<hbm>> -> memref<80xi32, #tpu.memory_space<hbm>>
      tpu.wait_dma2 semaphore(%arg28 : memref<!tpu.dma_semaphore, #tpu.memory_space<semaphore_mem>>) src(%dma_wait3A_253 : memref<80xi32, #tpu.memory_space<hbm>>) dst(%arg13 : memref<80xi32, #tpu.memory_space<vmem>>)
      %lt3A_254 = arith.constant 123 : i32
      %lt3A_255 = arith.cmpi slt, %add3A_231, %lt3A_254 : i32
      %convert_element_type3A_256 = arith.extui %lt3A_255 : i1 to i32
      %cond3A_257 = arith.constant 0 : i32
      %cond3A_258 = arith.cmpi ne, %convert_element_type3A_256, %cond3A_257 : i32
      scf.if %cond3A_258 {
        %dma_start3A_276 = arith.constant 0 : i32
        %dma_start3A_277 = arith.constant 0 : i32
        %dma_start3A_278 = tpu.memref_slice %arg4[%dma_start3A_276, %dma_start3A_277] : memref<10000x128xf32, #tpu.memory_space<hbm>> -> memref<10000x128xf32, #tpu.memory_space<hbm>>
        tpu.enqueue_indirect_dma source(%dma_start3A_278 : memref<10000x128xf32, #tpu.memory_space<hbm>>) target(%arg19 : memref<80x128xf32, #tpu.memory_space<vmem>>) offsets(%arg13 : memref<80xi32, #tpu.memory_space<vmem>>) semaphore(%arg22 : memref<!tpu.dma_semaphore, #tpu.memory_space<semaphore_mem>>)
      } else {
      }
      %get3A_259 = arith.constant 0 : index
      %get3A_260 = tpu.vector_load %arg14[%get3A_259] {strides = array<i32>} : memref<80xi32, #tpu.memory_space<vmem>>, vector<16xi32>,
      tpu.vector_store_idx %arg9[%get3A_260], %broadcast_in_dim3A_3 {add = true} : memref<10240xf32, #tpu.memory_space<vmem>>[vector<16xi32>], vector<16xf32>,
      %get3A_261 = arith.constant 16 : index
      %get3A_262 = tpu.vector_load %arg14[%get3A_261] {strides = array<i32>} : memref<80xi32, #tpu.memory_space<vmem>>, vector<16xi32>,
      tpu.vector_store_idx %arg9[%get3A_262], %broadcast_in_dim3A_3 {add = true} : memref<10240xf32, #tpu.memory_space<vmem>>[vector<16xi32>], vector<16xf32>,
      %get3A_263 = arith.constant 32 : index
      %get3A_264 = tpu.vector_load %arg14[%get3A_263] {strides = array<i32>} : memref<80xi32, #tpu.memory_space<vmem>>, vector<16xi32>,
      tpu.vector_store_idx %arg9[%get3A_264], %broadcast_in_dim3A_3 {add = true} : memref<10240xf32, #tpu.memory_space<vmem>>[vector<16xi32>], vector<16xf32>,
      %get3A_265 = arith.constant 48 : index
      %get3A_266 = tpu.vector_load %arg14[%get3A_265] {strides = array<i32>} : memref<80xi32, #tpu.memory_space<vmem>>, vector<16xi32>,
      tpu.vector_store_idx %arg9[%get3A_266], %broadcast_in_dim3A_3 {add = true} : memref<10240xf32, #tpu.memory_space<vmem>>[vector<16xi32>], vector<16xf32>,
      %get3A_267 = arith.constant 64 : index
      %get3A_268 = tpu.vector_load %arg14[%get3A_267] {strides = array<i32>} : memref<80xi32, #tpu.memory_space<vmem>>, vector<16xi32>,
      tpu.vector_store_idx %arg9[%get3A_268], %broadcast_in_dim3A_3 {add = true} : memref<10240xf32, #tpu.memory_space<vmem>>[vector<16xi32>], vector<16xf32>,
      %add3A_269 = arith.constant 2 : i32
      %add3A_270 = arith.addi %add3A_231, %add3A_269 : i32
      %mul3A_271 = arith.constant 80 : i32
      %mul3A_272 = arith.muli %add3A_270, %mul3A_271 : i32
      %add3A_273 = arith.addi %mul3A_2, %mul3A_272 : i32
      %min3A_274 = arith.constant 319920 : i32
      %min3A_275 = arith.minsi %add3A_273, %min3A_274 : i32
      "tpu.region"() ({
        %run_scoped3A = tpu.sem_alloc : memref<!tpu.dma_semaphore, #tpu.memory_space<semaphore_mem>>
        %dma_start3A_276 = tpu.memref_slice %arg3[%min3A_275] : memref<320000xi32, #tpu.memory_space<hbm>> -> memref<80xi32, #tpu.memory_space<hbm>>
        %dma_start3A_277 = tpu.memref_slice %arg3[%min3A_275] : memref<320000xi32, #tpu.memory_space<hbm>> -> memref<80xi32, #tpu.memory_space<hbm>>
        tpu.enqueue_dma source(%dma_start3A_277 : memref<80xi32, #tpu.memory_space<hbm>>) target(%arg16 : memref<80xi32, #tpu.memory_space<vmem>>) target_semaphore(%run_scoped3A : memref<!tpu.dma_semaphore, #tpu.memory_space<semaphore_mem>>)
        %dma_wait3A_278 = tpu.memref_slice %arg3[%min3A_275] : memref<320000xi32, #tpu.memory_space<hbm>> -> memref<80xi32, #tpu.memory_space<hbm>>
        %dma_wait3A_279 = tpu.memref_slice %arg3[%min3A_275] : memref<320000xi32, #tpu.memory_space<hbm>> -> memref<80xi32, #tpu.memory_space<hbm>>
        tpu.wait_dma2 semaphore(%run_scoped3A : memref<!tpu.dma_semaphore, #tpu.memory_space<semaphore_mem>>) src(%dma_wait3A_279 : memref<80xi32, #tpu.memory_space<hbm>>) dst(%arg16 : memref<80xi32, #tpu.memory_space<vmem>>)
        tpu.yield
      }) : () -> ()
    }
    %scan3A_97 = arith.constant 41 : i32
    %dma_wait3A_98 = arith.constant 0 : i32
    %dma_wait3A_99 = arith.constant 0 : i32
    %dma_wait3A_100 = tpu.memref_slice %arg4[%dma_wait3A_98, %dma_wait3A_99] : memref<10000x128xf32, #tpu.memory_space<hbm>> -> memref<10000x128xf32, #tpu.memory_space<hbm>>
    tpu.wait_indirect_dma semaphore(%arg21 : memref<!tpu.dma_semaphore, #tpu.memory_space<semaphore_mem>>) src(%dma_wait3A_100 : memref<10000x128xf32, #tpu.memory_space<hbm>>) dst(%arg18 : memref<80x128xf32, #tpu.memory_space<vmem>>)
    %dma_start3A_101 = arith.constant 0 : i32
    %dma_start3A_102 = arith.constant 0 : i32
    %dma_start3A_103 = tpu.memref_slice %arg8[%dma_start3A_101, %dma_start3A_102] : memref<10240x128xf32, #tpu.memory_space<vmem_shared>> -> memref<10240x128xf32, #tpu.memory_space<vmem_shared>>
    tpu.enqueue_indirect_dma source(%arg18 : memref<80x128xf32, #tpu.memory_space<vmem>>) target(%dma_start3A_103 : memref<10240x128xf32, #tpu.memory_space<vmem_shared>>) offsets(%arg15 : memref<80xi32, #tpu.memory_space<vmem>>) semaphore(%arg24 : memref<!tpu.dma_semaphore, #tpu.memory_space<semaphore_mem>>) {add = true}
    %get3A_104 = arith.constant 0 : index
    %get3A_105 = tpu.vector_load %arg15[%get3A_104] {strides = array<i32>} : memref<80xi32, #tpu.memory_space<vmem>>, vector<16xi32>,
    tpu.vector_store_idx %arg9[%get3A_105], %broadcast_in_dim3A_3 {add = true} : memref<10240xf32, #tpu.memory_space<vmem>>[vector<16xi32>], vector<16xf32>,
    %get3A_106 = arith.constant 16 : index
    %get3A_107 = tpu.vector_load %arg15[%get3A_106] {strides = array<i32>} : memref<80xi32, #tpu.memory_space<vmem>>, vector<16xi32>,
    tpu.vector_store_idx %arg9[%get3A_107], %broadcast_in_dim3A_3 {add = true} : memref<10240xf32, #tpu.memory_space<vmem>>[vector<16xi32>], vector<16xf32>,
    %get3A_108 = arith.constant 32 : index
    %get3A_109 = tpu.vector_load %arg15[%get3A_108] {strides = array<i32>} : memref<80xi32, #tpu.memory_space<vmem>>, vector<16xi32>,
    tpu.vector_store_idx %arg9[%get3A_109], %broadcast_in_dim3A_3 {add = true} : memref<10240xf32, #tpu.memory_space<vmem>>[vector<16xi32>], vector<16xf32>,
    %get3A_110 = arith.constant 48 : index
    %get3A_111 = tpu.vector_load %arg15[%get3A_110] {strides = array<i32>} : memref<80xi32, #tpu.memory_space<vmem>>, vector<16xi32>,
    tpu.vector_store_idx %arg9[%get3A_111], %broadcast_in_dim3A_3 {add = true} : memref<10240xf32, #tpu.memory_space<vmem>>[vector<16xi32>], vector<16xf32>,
    %get3A_112 = arith.constant 64 : index
    %get3A_113 = tpu.vector_load %arg15[%get3A_112] {strides = array<i32>} : memref<80xi32, #tpu.memory_space<vmem>>, vector<16xi32>,
    tpu.vector_store_idx %arg9[%get3A_113], %broadcast_in_dim3A_3 {add = true} : memref<10240xf32, #tpu.memory_space<vmem>>[vector<16xi32>], vector<16xf32>,
    %dma_wait3A_114 = arith.constant 0 : i32
    %dma_wait3A_115 = arith.constant 0 : i32
    %dma_wait3A_116 = tpu.memref_slice %arg8[%dma_wait3A_114, %dma_wait3A_115] : memref<10240x128xf32, #tpu.memory_space<vmem_shared>> -> memref<10240x128xf32, #tpu.memory_space<vmem_shared>>
    tpu.wait_indirect_dma semaphore(%arg23 : memref<!tpu.dma_semaphore, #tpu.memory_space<semaphore_mem>>) src(%arg17 : memref<80x128xf32, #tpu.memory_space<vmem>>) dst(%dma_wait3A_116 : memref<10240x128xf32, #tpu.memory_space<vmem_shared>>)
    %dma_wait3A_117 = arith.constant 0 : i32
    %dma_wait3A_118 = arith.constant 0 : i32
    %dma_wait3A_119 = tpu.memref_slice %arg8[%dma_wait3A_117, %dma_wait3A_118] : memref<10240x128xf32, #tpu.memory_space<vmem_shared>> -> memref<10240x128xf32, #tpu.memory_space<vmem_shared>>
    tpu.wait_indirect_dma semaphore(%arg24 : memref<!tpu.dma_semaphore, #tpu.memory_space<semaphore_mem>>) src(%arg18 : memref<80x128xf32, #tpu.memory_space<vmem>>) dst(%dma_wait3A_119 : memref<10240x128xf32, #tpu.memory_space<vmem_shared>>)
    %barrier3A_120 = arith.constant 0 : index
    tpu.barrier barrier_id(%barrier3A_120)
    %mul3A_121 = arith.constant 10240 : i32
    %mul3A_122 = arith.muli %arg0, %mul3A_121 : i32
    %add3A_123 = arith.addi %mul3A_122, %mul3A_23 : i32
    "tpu.region"() ({
      %run_scoped3A = tpu.sem_alloc : memref<!tpu.dma_semaphore, #tpu.memory_space<semaphore_mem>>
      %dma_start3A_124 = arith.constant 0 : i32
      %dma_start3A_125 = tpu.memref_slice %arg6[%add3A_123, %dma_start3A_124] : memref<20480x128xf32, #tpu.memory_space<hbm>> -> memref<640x128xf32, #tpu.memory_space<hbm>>
      %dma_start3A_126 = arith.constant 0 : i32
      %dma_start3A_127 = tpu.memref_slice %arg8[%mul3A_23, %dma_start3A_126] : memref<10240x128xf32, #tpu.memory_space<vmem_shared>> -> memref<640x128xf32, #tpu.memory_space<vmem_shared>>
      tpu.enqueue_dma source(%dma_start3A_127 : memref<640x128xf32, #tpu.memory_space<vmem_shared>>) target(%dma_start3A_125 : memref<640x128xf32, #tpu.memory_space<hbm>>) target_semaphore(%run_scoped3A : memref<!tpu.dma_semaphore, #tpu.memory_space<semaphore_mem>>)
      %dma_wait3A_128 = arith.constant 0 : i32
      %dma_wait3A_129 = tpu.memref_slice %arg6[%add3A_123, %dma_wait3A_128] : memref<20480x128xf32, #tpu.memory_space<hbm>> -> memref<640x128xf32, #tpu.memory_space<hbm>>
      %dma_wait3A_130 = arith.constant 0 : i32
      %dma_wait3A_131 = tpu.memref_slice %arg8[%mul3A_23, %dma_wait3A_130] : memref<10240x128xf32, #tpu.memory_space<vmem_shared>> -> memref<640x128xf32, #tpu.memory_space<vmem_shared>>
      tpu.wait_dma2 semaphore(%run_scoped3A : memref<!tpu.dma_semaphore, #tpu.memory_space<semaphore_mem>>) src(%dma_wait3A_131 : memref<640x128xf32, #tpu.memory_space<vmem_shared>>) dst(%dma_wait3A_129 : memref<640x128xf32, #tpu.memory_space<hbm>>)
      tpu.yield
    }) : () -> ()
    "tpu.region"() ({
      %run_scoped3A = tpu.sem_alloc : memref<!tpu.dma_semaphore, #tpu.memory_space<semaphore_mem>>
      %dma_start3A_124 = arith.constant 0 : i32
      %dma_start3A_125 = tpu.memref_slice %arg7[%add3A, %dma_start3A_124] : memref<32x10240xf32, #tpu.memory_space<hbm>> -> memref<1x10240xf32, #tpu.memory_space<hbm>>
      %dma_start3A_126 = tpu.memref_squeeze %dma_start3A_125 : memref<1x10240xf32, #tpu.memory_space<hbm>> -> memref<10240xf32, #tpu.memory_space<hbm>>
      %dma_start3A_127 = arith.constant 0 : i32
      %dma_start3A_128 = tpu.memref_slice %arg7[%add3A, %dma_start3A_127] : memref<32x10240xf32, #tpu.memory_space<hbm>> -> memref<1x10240xf32, #tpu.memory_space<hbm>>
      %dma_start3A_129 = tpu.memref_squeeze %dma_start3A_128 : memref<1x10240xf32, #tpu.memory_space<hbm>> -> memref<10240xf32, #tpu.memory_space<hbm>>
      tpu.enqueue_dma source(%arg9 : memref<10240xf32, #tpu.memory_space<vmem>>) target(%dma_start3A_129 : memref<10240xf32, #tpu.memory_space<hbm>>) target_semaphore(%run_scoped3A : memref<!tpu.dma_semaphore, #tpu.memory_space<semaphore_mem>>)
      %dma_wait3A_130 = arith.constant 0 : i32
      %dma_wait3A_131 = tpu.memref_slice %arg7[%add3A, %dma_wait3A_130] : memref<32x10240xf32, #tpu.memory_space<hbm>> -> memref<1x10240xf32, #tpu.memory_space<hbm>>
      %dma_wait3A_132 = tpu.memref_squeeze %dma_wait3A_131 : memref<1x10240xf32, #tpu.memory_space<hbm>> -> memref<10240xf32, #tpu.memory_space<hbm>>
      %dma_wait3A_133 = arith.constant 0 : i32
      %dma_wait3A_134 = tpu.memref_slice %arg7[%add3A, %dma_wait3A_133] : memref<32x10240xf32, #tpu.memory_space<hbm>> -> memref<1x10240xf32, #tpu.memory_space<hbm>>
      %dma_wait3A_135 = tpu.memref_squeeze %dma_wait3A_134 : memref<1x10240xf32, #tpu.memory_space<hbm>> -> memref<10240xf32, #tpu.memory_space<hbm>>
      tpu.wait_dma2 semaphore(%run_scoped3A : memref<!tpu.dma_semaphore, #tpu.memory_space<semaphore_mem>>) src(%arg9 : memref<10240xf32, #tpu.memory_space<vmem>>) dst(%dma_wait3A_135 : memref<10240xf32, #tpu.memory_space<hbm>>)
      tpu.yield
    }) : () -> ()
    return
  }
}

module attributes {stable_mosaic.version = 14 : i64} {
  func.func @_tc_body(%arg0: i32, %arg1: memref<2x512x128xf32, #tpu.memory_space<vmem>>, %arg2: memref<32x512xf32, #tpu.memory_space<vmem>>, %arg3: memref<512x128xf32, #tpu.memory_space<vmem>>, %arg4: memref<128x256xf32, #tpu.memory_space<vmem>>, %arg5: memref<1x128xf32, #tpu.memory_space<vmem>>, %arg6: memref<512x128xf32, #tpu.memory_space<vmem>>) attributes {dimension_semantics = [#tpu.dimension_semantics<arbitrary>], iteration_bounds = array<i64: 20>, scalar_prefetch = 0 : i64, scratch_operands = 0 : i64, tpu.core_type = #tpu.core_type<tc>, window_params = [{transform_indices = @transform_0, window_bounds = array<i64: 2, 512, 128>}, {transform_indices = @transform_1, window_bounds = array<i64: 32, 512>}, {transform_indices = @transform_2, window_bounds = array<i64: 512, 128>}, {pipeline_mode = #tpu.pipeline_mode<synchronous>, transform_indices = @transform_3, window_bounds = array<i64: 128, 256>}, {pipeline_mode = #tpu.pipeline_mode<synchronous>, transform_indices = @transform_4, window_bounds = array<i64: 1, 128>}, {transform_indices = @transform_5, window_bounds = array<i64: 512, 128>}]} {
    %get3A = arith.constant 0 : index
    %get3A_0 = arith.constant 0 : index
    %get3A_1 = arith.constant 0 : index
    %get3A_2 = vector.load %arg1[%get3A, %get3A_0, %get3A_1] : memref<2x512x128xf32, #tpu.memory_space<vmem>>, vector<1x512x128xf32>
    %get3A_3 = vector.shape_cast %get3A_2 : vector<1x512x128xf32> to vector<512x128xf32>
    %get3A_4 = arith.constant 1 : index
    %get3A_5 = arith.constant 0 : index
    %get3A_6 = arith.constant 0 : index
    %get3A_7 = vector.load %arg1[%get3A_4, %get3A_5, %get3A_6] : memref<2x512x128xf32, #tpu.memory_space<vmem>>, vector<1x512x128xf32>
    %get3A_8 = vector.shape_cast %get3A_7 : vector<1x512x128xf32> to vector<512x128xf32>
    %add3A = arith.addf %get3A_3, %get3A_8 : vector<512x128xf32>
    %get3A_9 = arith.constant 0 : index
    %get3A_10 = arith.constant 0 : index
    %get3A_11 = vector.load %arg2[%get3A_9, %get3A_10] : memref<32x512xf32, #tpu.memory_space<vmem>>, vector<32x512xf32>
    %reduce_sum3A = arith.constant dense<0.000000e+00> : vector<512xf32>
    %reduce_sum3A_12 = vector.multi_reduction <add>, %get3A_11, %reduce_sum3A [0] : vector<32x512xf32> to vector<512xf32>
    %broadcast_in_dim3A = vector.shape_cast %reduce_sum3A_12 : vector<512xf32> to vector<512x1xf32>
    %max3A = arith.constant 1.000000e+00 : f32
    %max3A_13 = vector.broadcast %max3A : f32 to vector<512x1xf32>
    %max3A_14 = arith.maximumf %broadcast_in_dim3A, %max3A_13 : vector<512x1xf32>
    %div3A = vector.broadcast %max3A_14 : vector<512x1xf32> to vector<512x128xf32>
    %div3A_15 = arith.divf %add3A, %div3A : vector<512x128xf32>
    %get3A_16 = arith.constant 0 : index
    %get3A_17 = arith.constant 0 : index
    %get3A_18 = vector.load %arg4[%get3A_16, %get3A_17] : memref<128x256xf32, #tpu.memory_space<vmem>>, vector<128x128xf32>
    %get3A_19 = arith.constant 0 : index
    %get3A_20 = arith.constant 128 : index
    %get3A_21 = vector.load %arg4[%get3A_19, %get3A_20] : memref<128x256xf32, #tpu.memory_space<vmem>>, vector<128x128xf32>
    %get3A_22 = arith.constant 0 : index
    %get3A_23 = arith.constant 0 : index
    %get3A_24 = vector.load %arg3[%get3A_22, %get3A_23] : memref<512x128xf32, #tpu.memory_space<vmem>>, vector<512x128xf32>
    %dot_general3A = arith.constant dense<0.000000e+00> : vector<512x128xf32>
    %dot_general3A_25 = tpu.matmul %get3A_24, %get3A_18, %dot_general3A {dimension_numbers = #tpu.dot_dimension_numbers<[1], [1], [0], [0], [0, 0, 1, 0], [], []>, transpose_lhs_hint = false} : vector<512x128xf32>, vector<128x128xf32>, vector<512x128xf32> -> vector<512x128xf32>
    %dot_general3A_26 = arith.constant dense<0.000000e+00> : vector<512x128xf32>
    %dot_general3A_27 = tpu.matmul %div3A_15, %get3A_21, %dot_general3A_26 {dimension_numbers = #tpu.dot_dimension_numbers<[1], [1], [0], [0], [0, 0, 1, 0], [], []>, transpose_lhs_hint = false} : vector<512x128xf32>, vector<128x128xf32>, vector<512x128xf32> -> vector<512x128xf32>
    %add3A_28 = arith.addf %dot_general3A_25, %dot_general3A_27 : vector<512x128xf32>
    %get3A_29 = arith.constant 0 : index
    %get3A_30 = arith.constant 0 : index
    %get3A_31 = vector.load %arg5[%get3A_29, %get3A_30] : memref<1x128xf32, #tpu.memory_space<vmem>>, vector<1x128xf32>
    %add3A_32 = vector.broadcast %get3A_31 : vector<1x128xf32> to vector<512x128xf32>
    %add3A_33 = arith.addf %add3A_28, %add3A_32 : vector<512x128xf32>
    %swap3A = arith.constant 0 : index
    %swap3A_34 = arith.constant 0 : index
    %swap3A_35 = vector.load %arg6[%swap3A, %swap3A_34] : memref<512x128xf32, #tpu.memory_space<vmem>>, vector<512x128xf32>
    tpu.vector_store %arg6[%swap3A, %swap3A_34], %add3A_33 {strides = array<i32>} : memref<512x128xf32, #tpu.memory_space<vmem>>, vector<512x128xf32>,
    return
  }
  func.func @transform_0(%arg0: i32) -> (i32, i32, i32) {
    %c0_i32 = arith.constant 0 : i32
    %c0_i32_0 = arith.constant 0 : i32
    %c0_i32_1 = arith.constant 0 : i32
    return %c0_i32, %arg0, %c0_i32_0 : i32, i32, i32
  }
  func.func @transform_1(%arg0: i32) -> (i32, i32) {
    %c0_i32 = arith.constant 0 : i32
    %c0_i32_0 = arith.constant 0 : i32
    return %c0_i32, %arg0 : i32, i32
  }
  func.func @transform_2(%arg0: i32) -> (i32, i32) {
    %c0_i32 = arith.constant 0 : i32
    %c0_i32_0 = arith.constant 0 : i32
    return %arg0, %c0_i32 : i32, i32
  }
  func.func @transform_3(%arg0: i32) -> (i32, i32) {
    %c0_i32 = arith.constant 0 : i32
    %c0_i32_0 = arith.constant 0 : i32
    %c0_i32_1 = arith.constant 0 : i32
    return %c0_i32, %c0_i32_0 : i32, i32
  }
  func.func @transform_4(%arg0: i32) -> (i32, i32) {
    %c0_i32 = arith.constant 0 : i32
    %c0_i32_0 = arith.constant 0 : i32
    %c0_i32_1 = arith.constant 0 : i32
    return %c0_i32, %c0_i32_0 : i32, i32
  }
  func.func @transform_5(%arg0: i32) -> (i32, i32) {
    %c0_i32 = arith.constant 0 : i32
    %c0_i32_0 = arith.constant 0 : i32
    return %arg0, %c0_i32 : i32, i32
  }
}

</mosaic_0001>

<sc_bundles>
// kernel: kernel.4.cloned.1.call-start
scs
__scs_entry_jumppad:
0x0: {  	(pc) =	sbr.rel $0x88, $3  }
0x1: {  	(tag) =	ssettag $0x0;
	lr =	simm.s32 $0x1  }
0x2: {  	[smem:$0x3F9C] =	sst lr;
	_ =	strace $0xD0000000  }
0x3: {  	_ = 	snop  }
0x4: {  	_ = 	snop  }
0x5: {  	_ = 	snop  }
0x6: {  	_ = 	snop  }
0x7: {  	_ = 	snop  }
__scs_overlays_trampoline_lowered:
0x8: {  	[smem:$0x3FAB] =	sst s0  }
0x9: {  	[smem:$0x3FAC] =	sst s1  }
0xa: {  	[smem:$0x3FAD] =	sst s2  }
0xb: {  	[smem:$0x3FAE] =	sst s3  }
0xc: {  	[smem:$0x3FAF] =	sst s4  }
0xd: {  	[smem:$0x3FB0] =	sst s5  }
0xe: {  	[smem:$0x3FB1] =	sst s6  }
0xf: {  	[smem:$0x3FB2] =	sst s7  }
0x10: {  	[smem:$0x3FB3] =	sst s8  }
0x11: {  	[smem:$0x3FB4] =	sst s9;
	s0 =	simm.s32 @!p0 $0x0  }
0x12: {  	s1 =	sld [smem:$0x3F9A];
	s0 =	simm.s32 @p0 $0x1  }
0x13: {  	[smem:$0x3FB5] =	sst s0;
	s0 =	simm.s32 @!p1 $0x0  }
0x14: {  	s2 =	sld [smem:$0x3F99];
	s0 =	simm.s32 @p1 $0x1  }
0x15: {  	[smem:$0x3FB6] =	sst s0;
	s0 =	simm.s32 @!p2 $0x0  }
0x16: {  	s3 =	sld [smem:$0x3FDB];
	s0 =	simm.s32 @p2 $0x1  }
0x17: {  	s4 =	simm.s32 $0x1BF5;
	[smem:$0x3FB8] =	sst s0  }
0x18: {  	s0 =	sld [smem:$0x3F9B];
	_ =	swait.ge [sflag:s4], $0x0  }
0x19: {  	s7 =	sld [smem:$0x3F9C]  }
0x1a: {  	s8 =	sadd.s32 $0xFFFFE003, lr  }
0x1b: {  	s9 =	sadd.s32 $0xFFFFFEF7, lr;
	s5 =	simm.s32 $0xFFFFFFFF;
	p2 =	slt.u32 s8, $0xFFFFF086  }
0x1c: {  	p1 =	slt.u32 s9, $0xF7A;
	s5 =	simm.s32 @!p2 $0x0  }
0x1d: {  	s5 =	simm.s32 @p1 $0x1;
	p0 =	seq.s32 s7, s2  }
0x1e: {  	s7 =	smul.u32 @!p0 $0xF7A, s2;
	p2 =	seq.s32 @!p0 s5, $0x0  }
0x1f: {  	s9 =	smul.u32 $0xF7A, s1;
	s8 =	simm.s32 @!p0 $0x1BF5;
	p2 =	por !p2, p0  }
0x20: {  	[sflag:s8] =	ssyncset.s32 @!p0 $0xFFFFF086;
	s6 =	sadd.s32 @!p0 s3, s7;
	s7 =	simm.s32 @!p0 $0x108  }
0x21: {  	s3 =	sadd.s32 s3, s9;
	s6 =	sadd.s32 @!p0 $0x88, s6;
	s7 =	simm.s32 @p2 $0x1082  }
0x22: {  	[simem:s7], [sflag:s8] =	dma.local @!p0 [hbm:s6], $0xF7A  }
0x23: {  	s9 =	sor.u32 $0xD0000000, s2;
	s6 =	simm.s32 $0x108;
	_ =	swait.ge @!p0 [sflag:s8], $0x0  }
0x24: {  	s3 =	sadd.s32 $0x88, s3;
	s6 =	simm.s32 @!p1 $0x1082;
	[sflag:s4] =	ssyncset.s32 $0xFFFFF086  }
0x25: {  	[simem:s6], [sflag:s4] =	dma.local [hbm:s3], $0xF7A  }
0x26: {  	[smem:$0x3F9C] =	sst s1;
	(tag) =	ssettag s2;
	_ =	strace s9  }
0x27: {  	s1 =	sld [smem:$0x3FAC]  }
0x28: {  	s2 =	sld [smem:$0x3FAD]  }
0x29: {  	s4 =	sld [smem:$0x3FAF]  }
0x2a: {  	p0 =	seq.s32 s5, $0x0;
	s5 =	sld [smem:$0x3FB0]  }
0x2b: {  	s6 =	sld [smem:$0x3FB1]  }
0x2c: {  	s7 =	sld [smem:$0x3FB2]  }
0x2d: {  	s3 =	simm.s32 $0x108;
	s8 =	sld [smem:$0x3FB3]  }
0x2e: {  	s3 =	simm.s32 @!p0 $0x1082;
	s9 =	sld [smem:$0x3FB4]  }
0x2f: {  	lr =	sadd.s32 s0, s3;
	s0 =	sld [smem:$0x3FAB]  }
0x30: {  	s3 =	sld [smem:$0x3FAE]  }
0x31: {  	[smem:$0x3FB7] =	sst s10  }
0x32: {  	s10 =	sld [smem:$0x3FB5];
	_ =	sdelay $0x3  }
0x33: {  	p0 =	seq.s32 s10, $0x1;
	s10 =	sld [smem:$0x3FB7];
	_ =	sdelay $0x3  }
0x34: {  	[smem:$0x3FB7] =	sst s10  }
0x35: {  	s10 =	sld [smem:$0x3FB6];
	_ =	sdelay $0x3  }
0x36: {  	p1 =	seq.s32 s10, $0x1;
	s10 =	sld [smem:$0x3FB7];
	_ =	sdelay $0x3  }
0x37: {  	[smem:$0x3FB7] =	sst s10  }
0x38: {  	s10 =	sld [smem:$0x3FB8]  }
0x39: {  	_ = 	snop;
	(pc) =	sbr.ind lr, $3  }
0x3a: {  	_ = 	snop  }
0x3b: {  	_ = 	snop  }
0x3c: {  	p2 =	seq.s32 s10, $0x1;
	s10 =	sld [smem:$0x3FB7]  }
0x3d: {  	_ =	shalt  }
0x3e: {  	_ =	shalt  }
0x3f: {  	_ =	shalt  }
0x40: {  	_ =	shalt  }
0x41: {  	_ =	shalt  }
0x42: {  	_ =	shalt  }
0x43: {  	_ =	shalt  }
0x44: {  	_ =	shalt  }
0x45: {  	_ =	shalt  }
0x46: {  	_ =	shalt  }
0x47: {  	_ =	shalt  }
0x48: {  	_ =	shalt  }
0x49: {  	_ =	shalt  }
0x4a: {  	_ =	shalt  }
0x4b: {  	_ =	shalt  }
0x4c: {  	_ =	shalt  }
0x4d: {  	_ =	shalt  }
0x4e: {  	_ =	shalt  }
0x4f: {  	_ =	shalt  }
0x50: {  	_ =	shalt  }
0x51: {  	_ =	shalt  }
0x52: {  	_ =	shalt  }
0x53: {  	_ =	shalt  }
0x54: {  	_ =	shalt  }
0x55: {  	_ =	shalt  }
0x56: {  	_ =	shalt  }
0x57: {  	_ =	shalt  }
0x58: {  	_ =	shalt  }
0x59: {  	_ =	shalt  }
0x5a: {  	_ =	shalt  }
0x5b: {  	_ =	shalt  }
0x5c: {  	_ =	shalt  }
0x5d: {  	_ =	shalt  }
0x5e: {  	_ =	shalt  }
0x5f: {  	_ =	shalt  }
0x60: {  	_ =	shalt  }
0x61: {  	_ =	shalt  }
0x62: {  	_ =	shalt  }
0x63: {  	_ =	shalt  }
0x64: {  	_ =	shalt  }
0x65: {  	_ =	shalt  }
0x66: {  	_ =	shalt  }
0x67: {  	_ =	shalt  }
0x68: {  	_ =	shalt  }
0x69: {  	_ =	shalt  }
0x6a: {  	_ =	shalt  }
0x6b: {  	_ =	shalt  }
0x6c: {  	_ =	shalt  }
0x6d: {  	_ =	shalt  }
0x6e: {  	_ =	shalt  }
0x6f: {  	_ =	shalt  }
0x70: {  	_ =	shalt  }
0x71: {  	_ =	shalt  }
0x72: {  	_ =	shalt  }
0x73: {  	_ =	shalt  }
0x74: {  	_ =	shalt  }
0x75: {  	_ =	shalt  }
0x76: {  	_ =	shalt  }
0x77: {  	_ =	shalt  }
0x78: {  	_ =	shalt  }
0x79: {  	_ =	shalt  }
0x7a: {  	_ =	shalt  }
0x7b: {  	_ =	shalt  }
0x7c: {  	_ =	shalt  }
0x7d: {  	_ =	shalt  }
0x7e: {  	_ =	shalt  }
0x7f: {  	_ =	shalt  }
0x80: {  	_ =	shalt  }
0x81: {  	_ =	shalt  }
0x82: {  	_ =	shalt  }
0x83: {  	_ =	shalt  }
0x84: {  	_ =	shalt  }
0x85: {  	_ =	shalt  }
0x86: {  	_ =	shalt  }
0x87: {  	_ =	shalt  }
.Lfunc_end0:
.L_simem_size_0:
called_computation_lowered:
.L_overlay_start_0:
0x88: {  	s2 =	sld [smem:$0x3FD9]  }
0x89: {  	s3 =	sld [smem:$0x3FFE];
	_ =	sdelay $0x1  }
0x8a: {  	s1 =	srdreg.scid  }
0x8b: {  	s0 =	sand.u32 $0x1, s1  }
0x8c: {  	s17 =	sshll.u32 s0, $0xA;
	s2 =	sadd.s32 s3, s2  }
0x8d: {  	s2 =	sadd.s32 s2, s17  }
0x8e: {  	[smem:$0x3FC3] =	sst s2  }
0x8f: {  	_ = 	snop  }
0x90: {  	s2 =	sld [smem:$0x3FC8]  }
0x91: {  	s18 =	sld [smem:$0x3FD0];
	(tm) =	ssettm $0x1  }
0x92: {  	s4 =	sld [smem:$0x3FFB];
	_ =	sdelay $0x3  }
0x93: {  	_ =	strace s4  }
0x94: {  	s4 =	sld [smem:$0x3FFC];
	_ =	sdelay $0x3  }
0x95: {  	_ =	strace s4  }
0x96: {  	s4 =	sld [smem:$0x3FFD];
	_ =	sdelay $0x3  }
0x97: {  	_ =	strace s4  }
0x98: {  	_ =	strace $0x8FFFFFFF  }
0x99: {  	s19 =	sld [smem:$0x3FDB];
	_ =	sdelay $0x1  }
0x9a: {  	s5 =	simm.s32 $_scs_section_size  }
0x9b: {  	s6 =	simm.s32 $_size__tile_overlayer_lowered;
	s7 =	simm.s32 $_tile_overlayer_lowered  }
0x9c: {  	s22 =	simm.s32 $0x1BFF;
	s21 =	sshll.u32 s7, $0x1;
	s4 =	sadd.s32 s5, s19  }
0x9d: {  	s8 =	simm.s32 $0x0;
	s20 =	sshll.u32 s6, $0x1;
	s6 =	sadd.s32 s21, s4  }
0x9e: {  	[timem:s8], [sflag:s22] =	dma.local [hbm:s6], s20  }
0x9f: {  	_ =	swait.ge [sflag:s22], s20  }
0xa0: {  	s5 =	ssub.s32 $0x0, s20;
	[sflag:s22] =	ssyncset.done $0x0  }
0xa1: {  	[sflag:s22] =	ssyncadd.s32 s5;
	_ =	sdelay $0x1  }
0xa2: {  	s23 =	simm.s32 $0x1B8B  }
0xa3: {  	_ =	swait.ge [sflag:s23], $0x1  }
0xa4: {  	[sflag:s23] =	ssyncset.done $0x0  }
0xa5: {  	s25 =	simm.s32 $0x1B8E;
	s24 =	sld [smem:$0x3FFE];
	[sflag:s23] =	ssyncadd.s32 $0xFFFFFFFF  }
0xa6: {  	s26 =	simm.s32 $execute0_lowered;
	[smem:$0x3FD2] =	sst s25  }
0xa7: {  	s6 =	sshll.u32 s26, $0x1;
	_ =	strace $0x80000046;
	[dreg:$0x1] =	wrdreg $0xFFFFFFFF  }
0xa8: {  	s28 =	simm.s32 $_size_execute0_lowered;
	s4 =	sadd.s32 s4, s6;
	[dreg:$0x0] =	wrdreg $0x0  }
0xa9: {  	s6 =	sshll.u32 s28, $0x1;
	[dreg:$0x2] =	wrdreg s4  }
0xaa: {  	[dreg:$0x3] =	wrdreg s6  }
0xab: {  	[dreg:$0x4] =	wrdreg $0xC0  }
0xac: {  	_ =	task [dreg:s8], $0x5FFFF  }
0xad: {  	[dreg:$0x1] =	wrdreg $0xFFFFFFFF  }
0xae: {  	[dreg:$0x0] =	wrdreg $0x60  }
0xaf: {  	[dreg:$0x2] =	wrdreg s24  }
0xb0: {  	[dreg:$0x3] =	wrdreg s2  }
0xb1: {  	[dreg:$0x4] =	wrdreg s18  }
0xb2: {  	[dreg:$0x5] =	wrdreg $0x0  }
0xb3: {  	[dreg:$0x6] =	wrdreg $0x9  }
0xb4: {  	_ =	task.clear_ibuf [dreg:s8], $0x7FFFF;
	_ =	strace $0x90000046  }
0xb5: {  	s29 =	simm.s32 $0x9;
	_ =	strace $0x80000048  }
0xb6: {  	_ =	swait.ge [sflag:s29], $0x1  }
0xb7: {  	[sflag:s29] =	ssyncadd.s32 $0xFFFFFFFF  }
0xb8: {  	_ =	strace $0x90000048  }
0xb9: {  	_ =	sfence  }
0xba: {  	s30 =	sld [smem:$0x0];
	_ =	sdelay $0x2  }
0xbb: {  	s31 =	sshll.u32 s1, $0xD;
	s1 =	sshrl.u32 s1, $0x2  }
0xbc: {  	s3 =	sand.u32 $0x4000, s31;
	s1 =	sadd.s32 s1, s30  }
0xbd: {  	s0 =	sor.u32 s3, s0;
	s1 =	sshll.u32 s1, $0x11  }
0xbe: {  	s0 =	sor.u32 s1, s0  }
0xbf: {  	s0 =	sadd.s32 $0x8F2B, s0  }
0xc0: {  	[sflag:s0] =	ssyncadd.remote.s32 $0x1  }
0xc1: {  	_ =	sfence.sel $0xFFFF  }
0xc2: {  	[dreg:$0x0] =	wrdreg $0xFFFFFFFF;
	(pc) =	sbr.abs _section_cstart, $3  }
0xc3: {  	[dreg:$0x1] =	wrdreg $0xFFFFFFFF  }
0xc4: {  	_ =	task.clear_ibuf [dreg:s8], $0x2FFFF;
	_ =	strace $0x9FFFFFFF  }
0xc5: {  	(tm) =	ssettm $0x7FFFFFFF  }
tec
execute0_lowered:
.L_overlay_start_1:
0x0: {  	(tag) =	ssettag $0x1  }
0x1: {  	s0 =	rddreg [dreg:$0x0]  }
0x2: {  	s1 =	rddreg [dreg:$0x1]  }
0x3: {  	s2 =	rddreg [dreg:$0x2]  }
0x4: {  	s3 =	rddreg [dreg:$0x3]  }
0x5: {  	s5 =	srdreg.scid;
	s13 =	stileid.u32  }
0x6: {  	s4 =	simm.s32 $0x0;
	s7 =	sand.u32 $0x1, s5;
	s8 =	smul.u32 $0x2800, s13  }
0x7: {  	[smem:$0x7FF] =	sst s4;
	s5 =	sshll.u32 s7, $0x4;
	s9 =	smul.u32 $0x28000, s7  }
0x8: {  	s30 =	sadd.s32 $0x1000, s0;
	s12 =	sadd.s32 $0x14C00, s0;
	s10 =	sor.u32 s13, s5  }
0x9: {  	_ =	strace $0x80000047;
	s11 =	smul.u32 $0x2710, s10;
	s8 =	sadd.s32 s8, s9  }
0xa: {  	[dreg:$0x5] =	wrdreg s12;
	s5 =	sadd.s32 $0xAE00, s0;
	s0 =	sadd.s32 s8, s0  }
0xb: {  	[smem:$0x7F8] =	sst s5;
	s11 =	sshrl.u32 s11, $0x3;
	s0 =	sadd.s32 $0x14E00, s0  }
0xc: {  	s14 =	sadd.s32 s5, s11;
	[dreg:$0x12] =	wrdreg s0  }
0xd: {  	s26 =	sadd.s32 $0xA, s11;
	s6 =	sadd.s32 s30, s11;
	[dreg:$0x6] =	wrdreg s14  }
0xe: {  	s31 =	smul.u32 $0x50000, s13;
	[dreg:$0x7] =	wrdreg s6;
	s15 =	sadd.s32 s5, s26  }
0xf: {  	s11 =	sadd.s32 $0x14, s11;
	s9 =	sadd.s32 s30, s26;
	[dreg:$0x8] =	wrdreg s15  }
0x10: {  	s21 =	sshll.u32 s13, $0x7;
	s18 =	sadd.s32 s5, s11;
	[dreg:$0x9] =	wrdreg s9  }
0x11: {  	s16 =	sshrl.u32 s31, $0x2;
	s26 =	sadd.s32 s30, s11;
	[dreg:$0xb] =	wrdreg s18  }
0x12: {  	s24 =	ssub.s32 $0x2, s7;
	s14 =	sadd.s32 s16, s3;
	[dreg:$0x11] =	wrdreg s26  }
0x13: {  	s25 =	sshrl.u32 s24, $0x1;
	s19 =	sadd.s32 $0x1000, s14;
	[dreg:$0xa] =	wrdreg s14  }
0x14: {  	s10 =	sshrl.u32 s10, $0x3;
	s20 =	sadd.s32 $0x2000, s14;
	[dreg:$0xc] =	wrdreg s19  }
0x15: {  	s8 =	ssub.s32 s24, s25;
	s23 =	sadd.s32 $0x3000, s14;
	[dreg:$0xd] =	wrdreg s20  }
0x16: {  	s17 =	smul.u32 $0x14000, s10;
	s24 =	sadd.s32 $0x4000, s14;
	[dreg:$0xe] =	wrdreg s23  }
0x17: {  	s10 =	sand.u32 $0x380, s21;
	s25 =	sadd.s32 $0x5000, s14;
	[dreg:$0xf] =	wrdreg s24  }
0x18: {  	s9 =	sor.u32 s10, s17;
	s10 =	smax.u32 s8, $0x1;
	[dreg:$0x10] =	wrdreg s25  }
0x19: {  	s29 =	simm.s32 $0x14000;
	s12 =	sadd.s32 $0x6000, s14;
	[dreg:$0x14] =	wrdreg s10  }
0x1a: {  	s22 =	smul.u32 $0x2710, s13;
	s13 =	sadd.s32 $0x7000, s14;
	[dreg:$0x17] =	wrdreg s12  }
0x1b: {  	s28 =	simm.s32 $0x17A80;
	s15 =	sadd.s32 $0x8000, s14;
	[dreg:$0x18] =	wrdreg s13  }
0x1c: {  	s7 =	smul.u32 $0x27100, s7;
	s16 =	sadd.s32 $0x9000, s14;
	[dreg:$0x19] =	wrdreg s15  }
0x1d: {  	s17 =	sadd.s32 $0xA000, s14;
	s18 =	sadd.s32 $0xB000, s14;
	[dreg:$0x1a] =	wrdreg s16  }
0x1e: {  	s21 =	sadd.s32 $0xD000, s14;
	s26 =	sadd.s32 $0x12000, s14;
	[dreg:$0x1b] =	wrdreg s17  }
0x1f: {  	s8 =	simm.s32 $0x9;
	s19 =	sadd.s32 s22, s7;
	[dreg:$0x1c] =	wrdreg s18  }
0x20: {  	s31 =	sshrl.u32 s9, $0x3;
	s20 =	sadd.s32 $0xC000, s14;
	[dreg:$0x1e] =	wrdreg s21  }
0x21: {  	s22 =	sadd.s32 $0xE000, s14;
	s23 =	sadd.s32 $0xF000, s14;
	s24 =	sadd.s32 $0x10000, s14  }
0x22: {  	s25 =	sadd.s32 $0x11000, s14;
	[smem:$0x7FC] =	sst s26;
	s13 =	simm.s32 $0x17800  }
0x23: {  	s16 =	simm.s32 $0xA;
	s15 =	simm.s32 $0x17980;
	[dreg:$0x1d] =	wrdreg s20  }
0x24: {  	s17 =	simm.s32 $0x17880;
	s18 =	simm.s32 $0x17A00;
	[dreg:$0x1f] =	wrdreg s22  }
0x25: {  	s26 =	simm.s32 $0x1CB00;
	s10 =	simm.s32 $0x1;
	[smem:$0x7F9] =	sst s23  }
0x26: {  	s21 =	simm.s32 $0x0;
	s6 =	sadd.s32 $0x140, s19;
	[smem:$0x7FA] =	sst s24  }
0x27: {  	s7 =	sadd.s32 s2, s31;
	[smem:$0x7FB] =	sst s25;
	s31 =	sadd.s32 $0x13000, s14  }
0x28: {  	s20 =	simm.s32 $0x17B00;
	s22 =	simm.s32 $0x1A300;
	s23 =	simm.s32 $0x17900  }
0x29: {  	s2 =	simm.s32 $0x0;
	s24 =	simm.s32 $0x3;
	[dreg:$0x13] =	wrdreg s7  }
0x2a: {  	s25 =	simm.s32 $0x6;
	s9 =	sshrl.u32 s6, $0x3;
	[smem:$0x7FD] =	sst s31  }
0x2b: {  	s7 =	simm.s32 $0x1;
	s11 =	sadd.s32 s9, s30;
	s0 =	sadd.s32 s9, s5  }
0x2c: {  	s9 =	simm.s32 $0x4;
	s5 =	simm.s32 $0x5;
	[dreg:$0x15] =	wrdreg s11  }
0x2d: {  	v0 =	vimm.f32 $0.0e+00;
	v1 =	vimm.f32 $1.000000000e+00;
	[dreg:$0x16] =	wrdreg s0;
	s0 =	simm.s32 $0x50;
	s11 =	simm.s32 $0x8  }
.LBB2_1:
0x2e: {  	[smem:$0x7F7] =	sst s2  }
0x2f: {  	s12 =	rddreg [dreg:$0x6]  }
0x30: {  	[tilespmem:s13], [sflag:$0xA] =	stream.linear.gather [hbm4b:s12+s4], $0x50, $0x38;
	[tilespmem:$0x1F300] =	vst v63  }
0x31: {  	_ =	swait.ge [sflag:s16], $0x50  }
0x32: {  	[sflag:s16] =	ssyncset.done $0x0  }
0x33: {  	s31 =	rddreg [dreg:$0x7];
	[sflag:s16] =	ssyncadd.s32 $0xFFFFFFB0  }
0x34: {  	[tilespmem:s15], [sflag:$0xA] =	stream.linear.gather [hbm4b:s31+s4], $0x50, $0x38;
	[tilespmem:$0x1F300] =	vst v63  }
0x35: {  	_ =	swait.ge [sflag:s16], $0x50  }
0x36: {  	[sflag:s16] =	ssyncset.done $0x0  }
0x37: {  	s2 =	rddreg [dreg:$0x8];
	[sflag:s16] =	ssyncadd.s32 $0xFFFFFFB0  }
0x38: {  	[tilespmem:s17], [sflag:$0xA] =	stream.linear.gather [hbm4b:s2+s4], $0x50, $0x38;
	[tilespmem:$0x1F300] =	vst v63  }
0x39: {  	_ =	swait.ge [sflag:s16], $0x50  }
0x3a: {  	[sflag:s16] =	ssyncset.done $0x0  }
0x3b: {  	s6 =	rddreg [dreg:$0x9];
	[sflag:s16] =	ssyncadd.s32 $0xFFFFFFB0  }
0x3c: {  	[tilespmem:s18], [sflag:$0xA] =	stream.linear.gather [hbm4b:s6+s4], $0x50, $0x38;
	[tilespmem:$0x1F300] =	vst v63  }
0x3d: {  	_ =	swait.ge [sflag:s16], $0x50  }
0x3e: {  	[sflag:s16] =	ssyncset.done $0x0  }
0x3f: {  	[sflag:s16] =	ssyncadd.s32 $0xFFFFFFB0  }
0x40: {  	[tilespmem:s20], [sflag:$0x1] =	stream.indirect.gather [hbm4b:s1+s0], $0x80, s13, s0, $0xb8;
	[tilespmem:$0x1F300] =	vst v63  }
0x41: {  	_ = 	snop  }
0x42: {  	[tilespmem:s22], [sflag:$0x2] =	stream.indirect.gather [hbm4b:s1+s0], $0x80, s17, s0, $0xb8;
	[tilespmem:$0x1F300] =	vst v63  }
0x43: {  	s13 =	rddreg [dreg:$0xb]  }
0x44: {  	[tilespmem:s23], [sflag:$0x9] =	stream.linear.gather [hbm4b:s13+s4], $0x50, $0x38;
	[tilespmem:$0x1F300] =	vst v63  }
0x45: {  	s17 =	rddreg [dreg:$0x5];
	s13 =	simm.s32 $0x16800  }
0x46: {  	[tilespmem:s13], [sflag:$0xA] =	stream.linear.gather [hbm4b:s17+s4], $0x1000, $0x38;
	[tilespmem:$0x1F300] =	vst v63  }
0x47: {  	_ =	swait.ge [sflag:s16], $0x1000  }
0x48: {  	[sflag:s16] =	ssyncset.done $0x0  }
0x49: {  	[sflag:s16] =	ssyncadd.s32 $0xFFFFF000  }
0x4a: {  	[spmem:s14] =	stream.linear.scatter [tilespmem:s13], [sflag:$0xA], $0x1000, $0x38;
	[tilespmem:$0x1F300] =	vst v63  }
0x4b: {  	_ =	swait.ge [sflag:s16], $0x1000  }
0x4c: {  	[sflag:s16] =	ssyncset.done $0x0  }
0x4d: {  	s18 =	rddreg [dreg:$0xc];
	[sflag:s16] =	ssyncadd.s32 $0xFFFFF000  }
0x4e: {  	[spmem:s18] =	stream.linear.scatter [tilespmem:s13], [sflag:$0xA], $0x1000, $0x38;
	[tilespmem:$0x1F300] =	vst v63  }
0x4f: {  	_ =	swait.ge [sflag:s16], $0x1000  }
0x50: {  	[sflag:s16] =	ssyncset.done $0x0  }
0x51: {  	s22 =	rddreg [dreg:$0xd];
	[sflag:s16] =	ssyncadd.s32 $0xFFFFF000  }
0x52: {  	[spmem:s22] =	stream.linear.scatter [tilespmem:s13], [sflag:$0xA], $0x1000, $0x38;
	[tilespmem:$0x1F300] =	vst v63  }
0x53: {  	_ =	swait.ge [sflag:s16], $0x1000  }
0x54: {  	[sflag:s16] =	ssyncset.done $0x0  }
0x55: {  	s31 =	rddreg [dreg:$0xe];
	[sflag:s16] =	ssyncadd.s32 $0xFFFFF000  }
0x56: {  	[spmem:s31] =	stream.linear.scatter [tilespmem:s13], [sflag:$0xA], $0x1000, $0x38;
	[tilespmem:$0x1F300] =	vst v63  }
0x57: {  	_ =	swait.ge [sflag:s16], $0x1000  }
0x58: {  	[sflag:s16] =	ssyncset.done $0x0  }
0x59: {  	s2 =	rddreg [dreg:$0xf];
	[sflag:s16] =	ssyncadd.s32 $0xFFFFF000  }
0x5a: {  	[spmem:s2] =	stream.linear.scatter [tilespmem:s13], [sflag:$0xA], $0x1000, $0x38;
	[tilespmem:$0x1F300] =	vst v63  }
0x5b: {  	_ =	swait.ge [sflag:s16], $0x1000  }
0x5c: {  	[sflag:s16] =	ssyncset.done $0x0  }
0x5d: {  	s4 =	rddreg [dreg:$0x10];
	[sflag:s16] =	ssyncadd.s32 $0xFFFFF000  }
0x5e: {  	[spmem:s4] =	stream.linear.scatter [tilespmem:s13], [sflag:$0xA], $0x1000, $0x38;
	[tilespmem:$0x1F300] =	vst v63  }
0x5f: {  	_ =	swait.ge [sflag:s16], $0x1000  }
0x60: {  	[sflag:s16] =	ssyncset.done $0x0  }
0x61: {  	s6 =	rddreg [dreg:$0x17];
	[sflag:s16] =	ssyncadd.s32 $0xFFFFF000  }
0x62: {  	[spmem:s6] =	stream.linear.scatter [tilespmem:s13], [sflag:$0xA], $0x1000, $0x38;
	[tilespmem:$0x1F300] =	vst v63  }
0x63: {  	_ =	swait.ge [sflag:s16], $0x1000  }
0x64: {  	[sflag:s16] =	ssyncset.done $0x0  }
0x65: {  	s14 =	rddreg [dreg:$0x18];
	[sflag:s16] =	ssyncadd.s32 $0xFFFFF000  }
0x66: {  	[spmem:s14] =	stream.linear.scatter [tilespmem:s13], [sflag:$0xA], $0x1000, $0x38;
	[tilespmem:$0x1F300] =	vst v63  }
0x67: {  	_ =	swait.ge [sflag:s16], $0x1000  }
0x68: {  	[sflag:s16] =	ssyncset.done $0x0  }
0x69: {  	s17 =	rddreg [dreg:$0x19];
	[sflag:s16] =	ssyncadd.s32 $0xFFFFF000  }
0x6a: {  	[spmem:s17] =	stream.linear.scatter [tilespmem:s13], [sflag:$0xA], $0x1000, $0x38;
	[tilespmem:$0x1F300] =	vst v63  }
0x6b: {  	_ =	swait.ge [sflag:s16], $0x1000  }
0x6c: {  	[sflag:s16] =	ssyncset.done $0x0  }
0x6d: {  	s18 =	rddreg [dreg:$0x1a];
	[sflag:s16] =	ssyncadd.s32 $0xFFFFF000  }
0x6e: {  	[spmem:s18] =	stream.linear.scatter [tilespmem:s13], [sflag:$0xA], $0x1000, $0x38;
	[tilespmem:$0x1F300] =	vst v63  }
0x6f: {  	_ =	swait.ge [sflag:s16], $0x1000  }
0x70: {  	[sflag:s16] =	ssyncset.done $0x0  }
0x71: {  	s22 =	rddreg [dreg:$0x1b];
	[sflag:s16] =	ssyncadd.s32 $0xFFFFF000  }
0x72: {  	[spmem:s22] =	stream.linear.scatter [tilespmem:s13], [sflag:$0xA], $0x1000, $0x38;
	[tilespmem:$0x1F300] =	vst v63  }
0x73: {  	_ =	swait.ge [sflag:s16], $0x1000  }
0x74: {  	[sflag:s16] =	ssyncset.done $0x0  }
0x75: {  	s31 =	rddreg [dreg:$0x1c];
	[sflag:s16] =	ssyncadd.s32 $0xFFFFF000  }
0x76: {  	[spmem:s31] =	stream.linear.scatter [tilespmem:s13], [sflag:$0xA], $0x1000, $0x38;
	[tilespmem:$0x1F300] =	vst v63  }
0x77: {  	_ =	swait.ge [sflag:s16], $0x1000  }
0x78: {  	[sflag:s16] =	ssyncset.done $0x0  }
0x79: {  	s2 =	rddreg [dreg:$0x1d];
	[sflag:s16] =	ssyncadd.s32 $0xFFFFF000  }
0x7a: {  	[spmem:s2] =	stream.linear.scatter [tilespmem:s13], [sflag:$0xA], $0x1000, $0x38;
	[tilespmem:$0x1F300] =	vst v63  }
0x7b: {  	_ =	swait.ge [sflag:s16], $0x1000  }
0x7c: {  	[sflag:s16] =	ssyncset.done $0x0  }
0x7d: {  	s4 =	rddreg [dreg:$0x1e];
	[sflag:s16] =	ssyncadd.s32 $0xFFFFF000  }
0x7e: {  	[spmem:s4] =	stream.linear.scatter [tilespmem:s13], [sflag:$0xA], $0x1000, $0x38;
	[tilespmem:$0x1F300] =	vst v63  }
0x7f: {  	_ =	swait.ge [sflag:s16], $0x1000  }
0x80: {  	[sflag:s16] =	ssyncset.done $0x0  }
0x81: {  	s6 =	rddreg [dreg:$0x1f];
	[sflag:s16] =	ssyncadd.s32 $0xFFFFF000  }
0x82: {  	[spmem:s6] =	stream.linear.scatter [tilespmem:s13], [sflag:$0xA], $0x1000, $0x38;
	[tilespmem:$0x1F300] =	vst v63  }
0x83: {  	_ =	swait.ge [sflag:s16], $0x1000  }
0x84: {  	s14 =	sld [smem:$0x7F9]  }
0x85: {  	[sflag:s16] =	ssyncset.done $0x0  }
0x86: {  	[sflag:s16] =	ssyncadd.s32 $0xFFFFF000  }
0x87: {  	[spmem:s14] =	stream.linear.scatter [tilespmem:s13], [sflag:$0xA], $0x1000, $0x38;
	[tilespmem:$0x1F300] =	vst v63  }
0x88: {  	_ =	swait.ge [sflag:s16], $0x1000  }
0x89: {  	s17 =	sld [smem:$0x7FA]  }
0x8a: {  	[sflag:s16] =	ssyncset.done $0x0  }
0x8b: {  	[sflag:s16] =	ssyncadd.s32 $0xFFFFF000  }
0x8c: {  	[spmem:s17] =	stream.linear.scatter [tilespmem:s13], [sflag:$0xA], $0x1000, $0x38;
	[tilespmem:$0x1F300] =	vst v63  }
0x8d: {  	_ =	swait.ge [sflag:s16], $0x1000  }
0x8e: {  	s18 =	sld [smem:$0x7FB]  }
0x8f: {  	[sflag:s16] =	ssyncset.done $0x0  }
0x90: {  	[sflag:s16] =	ssyncadd.s32 $0xFFFFF000  }
0x91: {  	[spmem:s18] =	stream.linear.scatter [tilespmem:s13], [sflag:$0xA], $0x1000, $0x38;
	[tilespmem:$0x1F300] =	vst v63  }
0x92: {  	_ =	swait.ge [sflag:s16], $0x1000  }
0x93: {  	s22 =	sld [smem:$0x7FC]  }
0x94: {  	[sflag:s16] =	ssyncset.done $0x0  }
0x95: {  	[sflag:s16] =	ssyncadd.s32 $0xFFFFF000  }
0x96: {  	[spmem:s22] =	stream.linear.scatter [tilespmem:s13], [sflag:$0xA], $0x1000, $0x38;
	[tilespmem:$0x1F300] =	vst v63  }
0x97: {  	_ =	swait.ge [sflag:s16], $0x1000  }
0x98: {  	s31 =	sld [smem:$0x7FD]  }
0x99: {  	[sflag:s16] =	ssyncset.done $0x0  }
0x9a: {  	[sflag:s16] =	ssyncadd.s32 $0xFFFFF000  }
0x9b: {  	[spmem:s31] =	stream.linear.scatter [tilespmem:s13], [sflag:$0xA], $0x1000, $0x38;
	[tilespmem:$0x1F300] =	vst v63  }
0x9c: {  	_ =	swait.ge [sflag:s16], $0x1000  }
0x9d: {  	[sflag:s16] =	ssyncset.done $0x0  }
0x9e: {  	s12 =	simm.s32 $0x40;
	s13 =	simm.s32 $0x0;
	[sflag:s16] =	ssyncadd.s32 $0xFFFFF000  }
.LBB2_2:
0x9f: {  	p0 =	sne.s32 s12, $0x9FC0;
	[tilespmem:s13+$0x14000] =	vst v0;
	s13 =	smov.u32 s12;
	s12 =	sadd.s32 $0x40, s12  }
.Ltmp0:
0xa0: {  	(pc) =	sbr.rel @p0 .LBB2_2-.Ltmp0, $2  }
0xa1: {  	_ =	sdelay $0x2  }
0xa2: {  	s13 =	sshra.s32 s13, $0x2  }
0xa3: {  	[tilespmem:s13+$0x14000] =	vst v0  }
0xa4: {  	[bflag:$0x0] =	sbarrier.arrive $0xFFFF  }
0xa5: {  	_ =	swait.ge [sflag:s7], $0x2800  }
0xa6: {  	[sflag:s7] =	ssyncset.done $0x0  }
0xa7: {  	[sflag:s7] =	ssyncadd.s32 $0xFFFFD800  }
0xa8: {  	[spmem:s3] =	stream.indirect.scatter.add.f32 [tilespmem:s20], [sflag:$0x4], $0x80, s15, s0, $0xb8;
	[tilespmem:$0x1F300] =	vst v63  }
0xa9: {  	v2 =	vld [tilespmem:$0x17980];
	_ =	sdelay $0x7  }
0xaa: {  	[tilespmem:v2+s29+$0x0] =	vst.idx.add.f32.msk $0xffff, v1  }
0xab: {  	v2 =	vld [tilespmem:$0x17990];
	_ =	sdelay $0x7  }
0xac: {  	[tilespmem:v2+s29+$0x0] =	vst.idx.add.f32.msk $0xffff, v1  }
0xad: {  	v2 =	vld [tilespmem:$0x179A0];
	_ =	sdelay $0x7  }
0xae: {  	[tilespmem:v2+s29+$0x0] =	vst.idx.add.f32.msk $0xffff, v1  }
0xaf: {  	v2 =	vld [tilespmem:$0x179B0];
	_ =	sdelay $0x7  }
0xb0: {  	[tilespmem:v2+s29+$0x0] =	vst.idx.add.f32.msk $0xffff, v1  }
0xb1: {  	v2 =	vld [tilespmem:$0x179C0];
	_ =	sdelay $0x7  }
0xb2: {  	[tilespmem:v2+s29+$0x0] =	vst.idx.add.f32.msk $0xffff, v1  }
0xb3: {  	_ =	swait.ge [sflag:s8], $0x50  }
0xb4: {  	[sflag:s8] =	ssyncset.done $0x0  }
0xb5: {  	s14 =	simm.s32 $0x0;
	[sflag:s8] =	ssyncadd.s32 $0xFFFFFFB0  }
0xb6: {  	[tilespmem:s26], [sflag:$0x3] =	stream.indirect.gather [hbm4b:s1+s0], $0x80, s23, s0, $0xb8;
	[tilespmem:$0x1F300] =	vst v63  }
0xb7: {  	s18 =	simm.s32 $0x17980;
	s22 =	simm.s32 $0x50;
	s12 =	rddreg [dreg:$0x11]  }
0xb8: {  	[tilespmem:s28], [sflag:$0xA] =	stream.linear.gather [hbm4b:s12+s14], $0x50, $0x38;
	[tilespmem:$0x1F300] =	vst v63  }
0xb9: {  	s2 =	simm.s32 $0x2;
	s7 =	simm.s32 $0x17A80;
	_ =	swait.ge [sflag:s16], $0x50  }
0xba: {  	s20 =	simm.s32 $0x17880;
	s8 =	simm.s32 $0x7;
	s12 =	rddreg [dreg:$0x16]  }
0xbb: {  	s23 =	simm.s32 $0x17B00;
	[sflag:s16] =	ssyncset.done $0x0;
	s13 =	rddreg [dreg:$0x15]  }
0xbc: {  	s0 =	simm.s32 $0x9;
	s6 =	sld [smem:$0x7F8];
	[sflag:s16] =	ssyncadd.s32 $0xFFFFFFB0  }
.LBB2_4:
0xbd: {  	s28 =	sadd.s32 s14, s19  }
0xbe: {  	_ =	swait.ge [sflag:s2], $0x2800;
	s4 =	smov.u32 s30;
	s30 =	sadd.s32 $0xF0, s28  }
0xbf: {  	[sflag:s2] =	ssyncset.done $0x0;
	s30 =	sshrl.u32 s30, $0x3  }
0xc0: {  	s17 =	simm.s32 $0x17800;
	[sflag:s2] =	ssyncadd.s32 $0xFFFFD800;
	s26 =	sadd.s32 s6, s30  }
0xc1: {  	[tilespmem:s17], [sflag:$0x7] =	stream.linear.gather [hbm4b:s26+s21], $0x50, $0x38;
	[tilespmem:$0x1F300] =	vst v63  }
0xc2: {  	s15 =	simm.s32 $0x17A00;
	s31 =	simm.s32 $0x1A300  }
0xc3: {  	[spmem:s3] =	stream.indirect.scatter.add.f32 [tilespmem:s31], [sflag:$0x5], $0x80, s15, s22, $0xb8;
	[tilespmem:$0x1F300] =	vst v63  }
0xc4: {  	_ =	swait.ge [sflag:s9], $0x2800  }
0xc5: {  	[sflag:s9] =	ssyncset.done $0x0  }
0xc6: {  	[sflag:s9] =	ssyncadd.s32 $0xFFFFD800  }
0xc7: {  	_ =	swait.ge [sflag:s8], $0x50  }
0xc8: {  	[sflag:s8] =	ssyncset.done $0x0  }
0xc9: {  	[sflag:s8] =	ssyncadd.s32 $0xFFFFFFB0  }
0xca: {  	[tilespmem:s23], [sflag:$0x1] =	stream.indirect.gather [hbm4b:s1+s22], $0x80, s17, s22, $0xb8;
	[tilespmem:$0x1F300] =	vst v63  }
0xcb: {  	v2 =	vld [tilespmem:$0x17A00];
	_ =	sdelay $0x7  }
0xcc: {  	[tilespmem:v2+s29+$0x0] =	vst.idx.add.f32.msk $0xffff, v1  }
0xcd: {  	v2 =	vld [tilespmem:$0x17A10];
	_ =	sdelay $0x7  }
0xce: {  	[tilespmem:v2+s29+$0x0] =	vst.idx.add.f32.msk $0xffff, v1  }
0xcf: {  	v2 =	vld [tilespmem:$0x17A20];
	_ =	sdelay $0x7  }
0xd0: {  	[tilespmem:v2+s29+$0x0] =	vst.idx.add.f32.msk $0xffff, v1  }
0xd1: {  	v2 =	vld [tilespmem:$0x17A30];
	_ =	sdelay $0x7  }
0xd2: {  	[tilespmem:v2+s29+$0x0] =	vst.idx.add.f32.msk $0xffff, v1  }
0xd3: {  	v2 =	vld [tilespmem:$0x17A40];
	_ =	sdelay $0x7  }
0xd4: {  	s17 =	sadd.s32 s4, s30;
	[tilespmem:v2+s29+$0x0] =	vst.idx.add.f32.msk $0xffff, v1  }
0xd5: {  	[tilespmem:s18], [sflag:$0xA] =	stream.linear.gather [hbm4b:s17+s21], $0x50, $0x38;
	[tilespmem:$0x1F300] =	vst v63  }
0xd6: {  	_ =	swait.ge [sflag:s16], $0x50  }
0xd7: {  	[sflag:s16] =	ssyncset.done $0x0  }
0xd8: {  	[sflag:s16] =	ssyncadd.s32 $0xFFFFFFB0  }
0xd9: {  	_ =	swait.ge [sflag:s24], $0x2800  }
0xda: {  	[sflag:s24] =	ssyncset.done $0x0  }
0xdb: {  	[sflag:s24] =	ssyncadd.s32 $0xFFFFD800  }
0xdc: {  	[tilespmem:s20], [sflag:$0x8] =	stream.linear.gather [hbm4b:s12+s21], $0x50, $0x38;
	[tilespmem:$0x1F300] =	vst v63  }
0xdd: {  	s26 =	simm.s32 $0x1CB00  }
0xde: {  	[spmem:s3] =	stream.indirect.scatter.add.f32 [tilespmem:s26], [sflag:$0x6], $0x80, s7, s22, $0xb8;
	[tilespmem:$0x1F300] =	vst v63  }
0xdf: {  	_ =	swait.ge [sflag:s5], $0x2800  }
0xe0: {  	[sflag:s5] =	ssyncset.done $0x0  }
0xe1: {  	[sflag:s5] =	ssyncadd.s32 $0xFFFFD800  }
0xe2: {  	_ =	swait.ge [sflag:s11], $0x50  }
0xe3: {  	[sflag:s11] =	ssyncset.done $0x0  }
0xe4: {  	[sflag:s11] =	ssyncadd.s32 $0xFFFFFFB0  }
0xe5: {  	[tilespmem:s31], [sflag:$0x2] =	stream.indirect.gather [hbm4b:s1+s22], $0x80, s20, s22, $0xb8;
	[tilespmem:$0x1F300] =	vst v63  }
0xe6: {  	v2 =	vld [tilespmem:$0x17A80];
	_ =	sdelay $0x7  }
0xe7: {  	[tilespmem:v2+s29+$0x0] =	vst.idx.add.f32.msk $0xffff, v1  }
0xe8: {  	v2 =	vld [tilespmem:$0x17A90];
	_ =	sdelay $0x7  }
0xe9: {  	[tilespmem:v2+s29+$0x0] =	vst.idx.add.f32.msk $0xffff, v1  }
0xea: {  	v2 =	vld [tilespmem:$0x17AA0];
	_ =	sdelay $0x7  }
0xeb: {  	[tilespmem:v2+s29+$0x0] =	vst.idx.add.f32.msk $0xffff, v1  }
0xec: {  	v2 =	vld [tilespmem:$0x17AB0];
	_ =	sdelay $0x7  }
0xed: {  	[tilespmem:v2+s29+$0x0] =	vst.idx.add.f32.msk $0xffff, v1  }
0xee: {  	v2 =	vld [tilespmem:$0x17AC0];
	_ =	sdelay $0x7  }
0xef: {  	[tilespmem:v2+s29+$0x0] =	vst.idx.add.f32.msk $0xffff, v1  }
0xf0: {  	[tilespmem:s15], [sflag:$0xA] =	stream.linear.gather [hbm4b:s13+s21], $0x50, $0x38;
	[tilespmem:$0x1F300] =	vst v63  }
0xf1: {  	_ =	swait.ge [sflag:s16], $0x50  }
0xf2: {  	s26 =	sadd.s32 $0x190, s28;
	[sflag:s16] =	ssyncset.done $0x0  }
0xf3: {  	p0 =	slt.s32 s26, $0x4E1B0;
	[sflag:s16] =	ssyncadd.s32 $0xFFFFFFB0  }
0xf4: {  	s26 =	simm.s32 @!p0 $0x4E1B0;
	_ =	swait.ge [sflag:s10], $0x2800  }
0xf5: {  	s26 =	sshrl.u32 s26, $0x3;
	[sflag:s10] =	ssyncset.done $0x0  }
0xf6: {  	s28 =	sadd.s32 s6, s26;
	s15 =	simm.s32 $0x17900;
	[sflag:s10] =	ssyncadd.s32 $0xFFFFD800  }
0xf7: {  	[tilespmem:s15], [sflag:$0x9] =	stream.linear.gather [hbm4b:s28+s21], $0x50, $0x38;
	[tilespmem:$0x1F300] =	vst v63  }
0xf8: {  	_ = 	snop  }
0xf9: {  	[spmem:s3] =	stream.indirect.scatter.add.f32 [tilespmem:s23], [sflag:$0x4], $0x80, s18, s22, $0xb8;
	[tilespmem:$0x1F300] =	vst v63  }
0xfa: {  	_ =	swait.ge [sflag:s25], $0x2800  }
0xfb: {  	[sflag:s25] =	ssyncset.done $0x0  }
0xfc: {  	[sflag:s25] =	ssyncadd.s32 $0xFFFFD800  }
0xfd: {  	p0 =	seq.s32 s14, $0x2580;
	_ =	swait.ge [sflag:s0], $0x50  }
0xfe: {  	s30 =	simm.s32 @!p0 $0x17900;
	s28 =	simm.s32 @!p0 $0x50;
	[sflag:s0] =	ssyncset.done $0x0  }
0xff: {  	s15 =	smov.u32 s19;
	s19 =	simm.s32 @!p0 $0x1CB00;
	[sflag:s0] =	ssyncadd.s32 $0xFFFFFFB0  }
0x100: {  	[tilespmem:s19], [sflag:$0x3] =	stream.indirect.gather @!p0 [hbm4b:s1+s28], $0x80, s30, s28, $0xb8;
	[tilespmem:$0x1F300] =	vst v63  }
0x101: {  	v2 =	vld [tilespmem:$0x17980];
	_ =	sdelay $0x7  }
0x102: {  	[tilespmem:v2+s29+$0x0] =	vst.idx.add.f32.msk $0xffff, v1  }
0x103: {  	v2 =	vld [tilespmem:$0x17990];
	_ =	sdelay $0x7  }
0x104: {  	[tilespmem:v2+s29+$0x0] =	vst.idx.add.f32.msk $0xffff, v1  }
0x105: {  	v2 =	vld [tilespmem:$0x179A0];
	_ =	sdelay $0x7  }
0x106: {  	[tilespmem:v2+s29+$0x0] =	vst.idx.add.f32.msk $0xffff, v1  }
0x107: {  	v2 =	vld [tilespmem:$0x179B0];
	_ =	sdelay $0x7  }
0x108: {  	[tilespmem:v2+s29+$0x0] =	vst.idx.add.f32.msk $0xffff, v1  }
0x109: {  	v2 =	vld [tilespmem:$0x179C0];
	_ =	sdelay $0x5  }
0x10a: {  	s14 =	sadd.s32 $0xF0, s14  }
0x10b: {  	p0 =	sne.s32 s14, $0x2670  }
.Ltmp1:
0x10c: {  	s28 =	sadd.s32 s4, s26;
	[tilespmem:v2+s29+$0x0] =	vst.idx.add.f32.msk $0xffff, v1;
	(pc) =	sbr.rel @p0 .LBB2_4-.Ltmp1, $4  }
0x10d: {  	[tilespmem:s7], [sflag:$0xA] =	stream.linear.gather [hbm4b:s28+s21], $0x50, $0x38;
	[tilespmem:$0x1F300] =	vst v63  }
0x10e: {  	s17 =	simm.s32 $0x1A300;
	s12 =	sadd.s32 $0x1E, s12;
	_ =	swait.ge [sflag:s16], $0x50  }
0x10f: {  	s31 =	simm.s32 $0x17A00;
	s13 =	sadd.s32 $0x1E, s13;
	[sflag:s16] =	ssyncset.done $0x0  }
0x110: {  	s30 =	smov.u32 s4;
	s19 =	smov.u32 s15;
	[sflag:s16] =	ssyncadd.s32 $0xFFFFFFB0  }
0x111: {  	_ =	swait.ge [sflag:s2], $0x2800  }
0x112: {  	[sflag:s2] =	ssyncset.done $0x0  }
0x113: {  	[sflag:s2] =	ssyncadd.s32 $0xFFFFD800  }
0x114: {  	[spmem:s3] =	stream.indirect.scatter.add.f32 [tilespmem:s17], [sflag:$0x5], $0x80, s31, s22, $0xb8;
	[tilespmem:$0x1F300] =	vst v63  }
0x115: {  	v2 =	vld [tilespmem:$0x17A00];
	_ =	sdelay $0x7  }
0x116: {  	[tilespmem:v2+s29+$0x0] =	vst.idx.add.f32.msk $0xffff, v1  }
0x117: {  	v2 =	vld [tilespmem:$0x17A10];
	_ =	sdelay $0x7  }
0x118: {  	[tilespmem:v2+s29+$0x0] =	vst.idx.add.f32.msk $0xffff, v1  }
0x119: {  	v2 =	vld [tilespmem:$0x17A20];
	_ =	sdelay $0x7  }
0x11a: {  	[tilespmem:v2+s29+$0x0] =	vst.idx.add.f32.msk $0xffff, v1  }
0x11b: {  	v2 =	vld [tilespmem:$0x17A30];
	_ =	sdelay $0x7  }
0x11c: {  	[tilespmem:v2+s29+$0x0] =	vst.idx.add.f32.msk $0xffff, v1  }
0x11d: {  	v2 =	vld [tilespmem:$0x17A40];
	_ =	sdelay $0x7  }
0x11e: {  	[tilespmem:v2+s29+$0x0] =	vst.idx.add.f32.msk $0xffff, v1  }
0x11f: {  	_ =	swait.ge [sflag:s9], $0x2800  }
0x120: {  	[sflag:s9] =	ssyncset.done $0x0  }
0x121: {  	[sflag:s9] =	ssyncadd.s32 $0xFFFFD800  }
0x122: {  	_ =	swait.ge [sflag:s5], $0x2800  }
0x123: {  	[sflag:s5] =	ssyncset.done $0x0  }
0x124: {  	[sflag:s5] =	ssyncadd.s32 $0xFFFFD800  }
0x125: {  	s12 =	stileid.u32;
	[bflag:$0x0] =	sbarrier.arrive $0xFFFF  }
0x126: {  	s12 =	sshll.u32 s12, $0x6;
	s14 =	rddreg [dreg:$0xa]  }
0x127: {  	s12 =	sor.u32 $0x1C0A, s12;
	s15 =	rddreg [dreg:$0x12];
	s13 =	sshrl.u32 s14, $0x3  }
0x128: {  	[hbm:s15], [sflag:s12] =	dma.local [spmem:s13], $0x2800  }
0x129: {  	_ =	swait.ge [sflag:s16], $0x2800  }
0x12a: {  	s0 =	simm.s32 $0x80;
	[sflag:s16] =	ssyncset.done $0x0  }
0x12b: {  	s23 =	simm.s32 $0x400;
	s22 =	rddreg [dreg:$0x13];
	[sflag:s16] =	ssyncadd.s32 $0xFFFFD800  }
0x12c: {  	[hbm4b:s22+s0] =	stream.strided.scatter [tilespmem:s29], [sflag:$0xA], $0x2800, s23, s0, $0x38;
	[tilespmem:$0x1F300] =	vst v63  }
0x12d: {  	_ =	swait.ge [sflag:s16], $0x2800  }
0x12e: {  	s26 =	sld [smem:$0x7F7];
	_ =	sdelay $0x2  }
0x12f: {  	s31 =	rddreg [dreg:$0x14];
	s2 =	sadd.s32 $0x1, s26  }
0x130: {  	s18 =	simm.s32 $0x17A00;
	p0 =	sne.s32 s2, s31  }
.Ltmp2:
0x131: {  	s20 =	simm.s32 $0x17B00;
	s28 =	simm.s32 $0x17A80;
	(pc) =	sbr.rel @p0 .LBB2_1-.Ltmp2, $4  }
0x132: {  	s7 =	simm.s32 $0x1;
	s8 =	simm.s32 $0x9;
	s4 =	simm.s32 $0x0  }
0x133: {  	s17 =	simm.s32 $0x17880;
	s13 =	simm.s32 $0x17800;
	s15 =	simm.s32 $0x17980  }
0x134: {  	s22 =	simm.s32 $0x1A300;
	s23 =	simm.s32 $0x17900;
	[sflag:s16] =	ssyncset.done $0x0  }
0x135: {  	s0 =	simm.s32 $0x50;
	[sflag:s16] =	ssyncadd.s32 $0xFFFFD800;
	s26 =	simm.s32 $0x1CB00  }
0x136: {  	_ =	sfence.sel $0x180000  }
0x137: {  	[bflag:$0x0] =	sbarrier.arrive $0xFFFF  }
0x138: {  	_ =	strace $0x90000047  }
0x139: {  	s0 =	stileid.u32;
	[bflag:$0x2] =	sbarrier.arrive $0xFFFF  }
0x13a: {  	p0 =	sne.s32 s0, $0x0;
	s0 =	rddreg [dreg:$0x4]  }
0x13b: {  	s0 =	sadd.s32 @!p0 $0x100000, s0  }
0x13c: {  	[sflag:s0] =	ssyncadd.tile.s32 @!p0 $0x1;
	_ =	shalt  }
.Lfunc_end2:
_tile_overlayer_lowered:
.L_overlay_start_2:
0x13d: {  	(tag) =	ssettag $0x2  }
0x13e: {  	s0 =	rddreg [dreg:$0x0];
	s2 =	stileid.u32  }
0x13f: {  	s1 =	rddreg [dreg:$0x1];
	p0 =	sne.s32 s2, $0x0  }
0x140: {  	s3 =	rddreg [dreg:$0x2];
	[bflag:$0x3] =	sbarrier.arrive $0xFFFF;
	s2 =	simm.s32 @!p0 $0x1C0A  }
0x141: {  	[timem:s3], [sflag:s2] =	dma.local @!p0 [hbm:s0], s1  }
0x142: {  	s0 =	simm.s32 @!p0 $0xA  }
0x143: {  	_ =	swait.ge @!p0 [sflag:s0], s1  }
0x144: {  	s1 =	ssub.s32 @!p0 $0x0, s1;
	[sflag:s0] =	ssyncset.done @!p0 $0x0  }
0x145: {  	[sflag:s0] =	ssyncadd.s32 @!p0 s1  }
0x146: {  	[bflag:$0x3] =	sbarrier.arrive $0xFFFF  }
0x147: {  	_ =	shalt  }

</sc_bundles>
